<compile_context>
chip_gen: v7x
topology: tpu7x:2x2x1
jax: 0.10.2.dev20260603
libtpu: 0.0.44.dev20260713+nightly
codegen_flags: <defaults>
</compile_context>

<pallas_src>
import functools

import jax
import jax.numpy as jnp
from jax import lax
from jax.experimental import pallas as pl
from jax.experimental.pallas import tpu as pltpu
from jax.experimental.pallas import tpu_sc as plsc

N = 10000
E = 50000
D = 64
BLK = 1024
EPAD = 50176


def _gather_sc(node, idx):
    info = plsc.get_sparse_core_info()
    nc, ns = info.num_cores, info.num_subcores
    nw = nc * ns
    b_per_w = EPAD // nw
    mesh = plsc.VectorSubcoreMesh(core_axis_name="c", subcore_axis_name="s")

    @functools.partial(
        pl.kernel,
        mesh=mesh,
        out_type=jax.ShapeDtypeStruct((EPAD, D), jnp.float32),
        scratch_types=[
            pltpu.VMEM((b_per_w,), jnp.int32),
            pltpu.VMEM((b_per_w, D), jnp.float32),
            pltpu.SemaphoreType.DMA,
        ],
        compiler_params=pltpu.CompilerParams(use_tc_tiling_on_sc=False),
    )
    def k(node_hbm, idx_hbm, out_hbm, idx_v, rows_v, sem):
        wid = lax.axis_index("s") * nc + lax.axis_index("c")
        base = wid * b_per_w
        pltpu.sync_copy(idx_hbm.at[pl.ds(base, b_per_w)], idx_v)
        pltpu.async_copy(node_hbm.at[idx_v], rows_v, sem).wait()
        pltpu.sync_copy(rows_v, out_hbm.at[pl.ds(base, b_per_w)])

    return k(node, idx)


def _scatter_sc(mail, dst, zeros):
    info = plsc.get_sparse_core_info()
    nc, ns = info.num_cores, info.num_subcores
    nw = nc * ns
    b_per_w = EPAD // nw
    nchunk = 2
    ch = b_per_w // nchunk
    rows_per_s = N // ns
    mesh = plsc.VectorSubcoreMesh(core_axis_name="c", subcore_axis_name="s")

    @functools.partial(
        pl.kernel,
        mesh=mesh,
        out_type=jax.ShapeDtypeStruct((nc * N, D), jnp.float32),
        scratch_types=[
            pltpu.VMEM((ch,), jnp.int32),
            pltpu.VMEM((ch, D), jnp.float32),
            pltpu.VMEM_SHARED((N + 8, D), jnp.float32),
        ],
        compiler_params=pltpu.CompilerParams(use_tc_tiling_on_sc=False),
    )
    def k(mail_hbm, dst_hbm, zeros_hbm, out_hbm, idx_v, rows_v, agg_sh):
        cid = lax.axis_index("c")
        sid = lax.axis_index("s")
        wid = sid * nc + cid
        base = wid * b_per_w

        @pl.when(sid == 0)
        def _():
            pltpu.sync_copy(zeros_hbm, agg_sh)

        plsc.subcore_barrier()
        for j in range(nchunk):
            pltpu.sync_copy(dst_hbm.at[pl.ds(base + j * ch, ch)], idx_v)
            pltpu.sync_copy(mail_hbm.at[pl.ds(base + j * ch, ch)], rows_v)
            pltpu.sync_copy(rows_v, agg_sh.at[idx_v], add=True)
        plsc.subcore_barrier()
        pltpu.sync_copy(
            agg_sh.at[pl.ds(sid * rows_per_s, rows_per_s)],
            out_hbm.at[pl.ds(cid * N + sid * rows_per_s, rows_per_s)],
        )

    return k(mail, dst, zeros)


def _mail_tc(edge, x_src, w1, b1_r, w2_t, b2r_t):
    nblk = EPAD // BLK

    nsplit = 8
    dchunk = D // nsplit

    def body(edge_ref, x_ref, w1_ref, b1_ref, w2_ref, b2_ref, out_ref):
        eb = edge_ref[...]
        h = jnp.maximum(
            jnp.dot(eb, w1_ref[...], preferred_element_type=jnp.float32)
            + b1_ref[...], 0.0)
        h_t = h.astype(jnp.bfloat16).T
        w2 = w2_ref[...]
        xt = x_ref[...].T
        accs = [jnp.dot(b2_ref[...], xt,
                        preferred_element_type=jnp.float32)]
        accs += [jnp.zeros_like(accs[0]) for _ in range(7)]
        for c in range(nsplit):
            ew_c = jnp.dot(w2[c * dchunk * D:(c + 1) * dchunk * D, :], h_t,
                           preferred_element_type=jnp.float32)
            for i in range(dchunk):
                d = c * dchunk + i
                accs[d % 8] = (accs[d % 8]
                               + xt[d:d + 1, :] * ew_c[i * D:(i + 1) * D, :])
        acc = ((accs[0] + accs[1]) + (accs[2] + accs[3])
               + (accs[4] + accs[5]) + (accs[6] + accs[7]))
        out_ref[...] = acc.T

    return pl.pallas_call(
        body,
        grid=(nblk,),
        in_specs=[
            pl.BlockSpec((BLK, D), lambda i: (i, 0)),
            pl.BlockSpec((BLK, D), lambda i: (i, 0)),
            pl.BlockSpec((D, 2 * D), lambda i: (0, 0)),
            pl.BlockSpec((1, 2 * D), lambda i: (0, 0)),
            pl.BlockSpec((D * D, 2 * D), lambda i: (0, 0)),
            pl.BlockSpec((D, D), lambda i: (0, 0)),
        ],
        out_specs=pl.BlockSpec((BLK, D), lambda i: (i, 0)),
        out_shape=jax.ShapeDtypeStruct((EPAD, D), jnp.float32),
        compiler_params=pltpu.CompilerParams(
            dimension_semantics=("parallel",)),
    )(edge, x_src, w1, b1_r, w2_t, b2r_t)


def _gru_ln_tc(agg0, agg1, hidden, ws, bs, gamma_r, beta_r):
    blk = 2000
    nblk = N // blk

    def body(a0, a1, hid, ar, az, an, br, bz, bn,
             bir, biz, binn, bhr, bhz, bhn, g, b, out_ref):
        nnf = jnp.maximum(a0[...] + a1[...], 0.0)
        hd = hid[...]

        def mm(x, w):
            return jnp.dot(x, w[...], preferred_element_type=jnp.float32)

        r = jax.nn.sigmoid(mm(nnf, ar) + bir[...] + mm(hd, br) + bhr[...])
        z = jax.nn.sigmoid(mm(nnf, az) + biz[...] + mm(hd, bz) + bhz[...])
        n = jnp.tanh(mm(nnf, an) + binn[...] + r * (mm(hd, bn) + bhn[...]))
        h_new = (1.0 - z) * n + z * hd
        mean = jnp.mean(h_new, axis=-1, keepdims=True)
        cen = h_new - mean
        var = jnp.mean(cen * cen, axis=-1, keepdims=True)
        out_ref[...] = cen * lax.rsqrt(var + 1e-5) * g[...] + b[...]

    mat = pl.BlockSpec((D, D), lambda i: (0, 0))
    row = pl.BlockSpec((1, D), lambda i: (0, 0))
    big = pl.BlockSpec((blk, D), lambda i: (i, 0))
    return pl.pallas_call(
        body,
        grid=(nblk,),
        in_specs=[big, big, big] + [mat] * 6 + [row] * 8,
        out_specs=big,
        out_shape=jax.ShapeDtypeStruct((N, D), jnp.float32),
        compiler_params=pltpu.CompilerParams(
            dimension_semantics=("parallel",)),
    )(agg0, agg1, hidden, *ws, *bs, gamma_r, beta_r)


def kernel(node, edge, hidden_feats, edge_index, W1, b1, W2, b2,
           Wih, Whh, bih, bhh, gamma, beta):
    pad = EPAD - E
    src_p = jnp.concatenate([edge_index[0], jnp.zeros((pad,), jnp.int32)])
    dst_p = jnp.concatenate(
        [edge_index[1], jnp.full((pad,), N, jnp.int32)])

    x_src = _gather_sc(node, src_p)

    mail = _mail_tc(edge, x_src, W1, b1[None, :],
                    W2.T.astype(jnp.bfloat16),
                    b2.reshape(D, D).T)

    aggp = _scatter_sc(mail, dst_p,
                       jnp.zeros((N + 8, D), jnp.float32))

    wih_s = jnp.split(Wih, 3)
    whh_s = jnp.split(Whh, 3)
    ws = [w.T for w in wih_s] + [w.T for w in whh_s]
    bs = ([b[None, :] for b in jnp.split(bih, 3)]
          + [b[None, :] for b in jnp.split(bhh, 3)])
    return _gru_ln_tc(aggp[:N], aggp[N:2 * N], hidden_feats,
                      ws, bs, gamma[None, :], beta[None, :])

# --- scband reference (transcript-rebuilt; emitter-appended) ---
"""Pipeline reference for scband-mpnnlayer-90134183674510 (READ-ONLY COPY).

The authoritative reference and input builder live on the scoring server;
editing this copy changes nothing except your own understanding.
"""

import jax, jax.numpy as jnp
import numpy as np

N = 10000
E = 50000
D = 64


def _uniform(key, shape, fan_in):
    bound = 1.0 / np.sqrt(fan_in)
    return jax.random.uniform(key, shape, minval=-bound, maxval=bound, dtype=jnp.float32)


def setup_inputs(seed: int = 0) -> dict:
    key = jax.random.key(seed)
    ks = jax.random.split(key, 16)
    node = jax.random.normal(ks[0], (N, D), dtype=jnp.float32)
    edge = jax.random.normal(ks[1], (E, D), dtype=jnp.float32)
    hidden_feats = jax.random.normal(ks[2], (N, D), dtype=jnp.float32)
    edge_index = jax.random.randint(ks[3], (2, E), 0, N, dtype=jnp.int32)
    # edge_network: Linear(D, 2D) -> ReLU -> Linear(2D, D*D)
    W1 = _uniform(ks[4], (D, 2 * D), D)
    b1 = _uniform(ks[5], (2 * D,), D)
    W2 = _uniform(ks[6], (2 * D, D * D), 2 * D)
    b2 = _uniform(ks[7], (D * D,), 2 * D)
    # GRUCell params (torch layout: [3*hidden, input], gate order r, z, n)
    Wih = _uniform(ks[8], (3 * D, D), D)
    Whh = _uniform(ks[9], (3 * D, D), D)
    bih = _uniform(ks[10], (3 * D,), D)
    bhh = _uniform(ks[11], (3 * D,), D)
    gamma = jnp.ones((D,), dtype=jnp.float32)
    beta = jnp.zeros((D,), dtype=jnp.float32)
    return {"node": node, "edge": edge, "hidden_feats": hidden_feats,
            "edge_index": edge_index, "W1": W1, "b1": b1, "W2": W2, "b2": b2,
            "Wih": Wih, "Whh": Whh, "bih": bih, "bhh": bhh,
            "gamma": gamma, "beta": beta}


def reference(node, edge, hidden_feats, edge_index, W1, b1, W2, b2, Wih, Whh, bih, bhh, gamma, beta):
    src = edge_index[0]
    dst = edge_index[1]
    # edge_network -> per-edge [D, D] weight matrices
    h = jax.nn.relu(edge @ W1 + b1)
    ew = (h @ W2 + b2).reshape(E, D, D)
    # message: src node feats [E,1,D] @ [E,D,D] -> [E,D]
    x_src = jnp.take(node, src, axis=0)
    mail = jnp.einsum('ed,edf->ef', x_src, ew)
    # reducer_sum over incoming edges per dst node
    agg = jax.ops.segment_sum(mail, dst, num_segments=N)
    new_node_feats = jax.nn.relu(agg)
    # GRUCell (torch semantics)
    gi = new_node_feats @ Wih.T + bih
    gh = hidden_feats @ Whh.T + bhh
    ir, iz, inn = jnp.split(gi, 3, axis=1)
    hr, hz, hn = jnp.split(gh, 3, axis=1)
    r = jax.nn.sigmoid(ir + hr)
    z = jax.nn.sigmoid(iz + hz)
    n = jnp.tanh(inn + r * hn)
    h_new = (1.0 - z) * n + z * hidden_feats
    # LayerNorm
    mean = jnp.mean(h_new, axis=-1, keepdims=True)
    var = jnp.var(h_new, axis=-1, keepdims=True)
    out = (h_new - mean) / jnp.sqrt(var + 1e-5) * gamma + beta
    return out

if __name__ == "__main__":
    import jax
    _d = setup_inputs()
    print(jax.jit(kernel)(*tuple(_d.values())))

</pallas_src>

<mosaic_0001>
#map = affine_map<(d0, d1) -> (0, 0)>
#map1 = affine_map<(d0, d1) -> (0)>
module attributes {stable_mosaic.version = 14 : i64} {
  func.func @k(%arg0: i32, %arg1: i32, %arg2: memref<50176x64xf32, #tpu.memory_space<hbm>>, %arg3: memref<50176xi32, #tpu.memory_space<hbm>>, %arg4: memref<10008x64xf32, #tpu.memory_space<hbm>>, %arg5: memref<20000x64xf32, #tpu.memory_space<hbm>>, %arg6: memref<784xi32, #tpu.memory_space<vmem>>, %arg7: memref<784x64xf32, #tpu.memory_space<vmem>>, %arg8: memref<10008x64xf32, #tpu.memory_space<vmem_shared>>) attributes {dimension_semantics = [#tpu.dimension_semantics<core_parallel>, #tpu.dimension_semantics<subcore_parallel>], iteration_bounds = array<i64: 2, 16>, scalar_prefetch = 0 : i64, scratch_operands = 3 : i64, tpu.core_type = #tpu.core_type<sc_vector_subcore>, window_params = [{transform_indices = #map}, {transform_indices = #map1}, {transform_indices = #map}, {transform_indices = #map}]} {
    %mul3A = arith.constant 2 : i32
    %mul3A_0 = arith.muli %arg1, %mul3A : i32
    %add3A = arith.addi %mul3A_0, %arg0 : i32
    %mul3A_1 = arith.constant 1568 : i32
    %mul3A_2 = arith.muli %add3A, %mul3A_1 : i32
    %eq3A = arith.constant 0 : i32
    %eq3A_3 = arith.cmpi eq, %arg1, %eq3A : i32
    %convert_element_type3A = arith.extui %eq3A_3 : i1 to i32
    %cond3A = arith.constant 0 : i32
    %cond3A_4 = arith.cmpi ne, %convert_element_type3A, %cond3A : i32
    scf.if %cond3A_4 {
      "tpu.region"() ({
        %run_scoped3A = tpu.sem_alloc : memref<!tpu.dma_semaphore, #tpu.memory_space<semaphore_mem>>
        tpu.enqueue_dma source(%arg4 : memref<10008x64xf32, #tpu.memory_space<hbm>>) target(%arg8 : memref<10008x64xf32, #tpu.memory_space<vmem_shared>>) target_semaphore(%run_scoped3A : memref<!tpu.dma_semaphore, #tpu.memory_space<semaphore_mem>>)
        tpu.wait_dma2 semaphore(%run_scoped3A : memref<!tpu.dma_semaphore, #tpu.memory_space<semaphore_mem>>) src(%arg4 : memref<10008x64xf32, #tpu.memory_space<hbm>>) dst(%arg8 : memref<10008x64xf32, #tpu.memory_space<vmem_shared>>)
        tpu.yield
      }) : () -> ()
    } else {
    }
    %barrier3A = arith.constant 0 : index
    tpu.barrier barrier_id(%barrier3A)
    %add3A_5 = arith.constant 0 : i32
    %add3A_6 = arith.addi %mul3A_2, %add3A_5 : i32
    "tpu.region"() ({
      %run_scoped3A = tpu.sem_alloc : memref<!tpu.dma_semaphore, #tpu.memory_space<semaphore_mem>>
      %dma_start3A = tpu.memref_slice %arg3[%add3A_6] : memref<50176xi32, #tpu.memory_space<hbm>> -> memref<784xi32, #tpu.memory_space<hbm>>
      %dma_start3A_21 = tpu.memref_slice %arg3[%add3A_6] : memref<50176xi32, #tpu.memory_space<hbm>> -> memref<784xi32, #tpu.memory_space<hbm>>
      tpu.enqueue_dma source(%dma_start3A_21 : memref<784xi32, #tpu.memory_space<hbm>>) target(%arg6 : memref<784xi32, #tpu.memory_space<vmem>>) target_semaphore(%run_scoped3A : memref<!tpu.dma_semaphore, #tpu.memory_space<semaphore_mem>>)
      %dma_wait3A = tpu.memref_slice %arg3[%add3A_6] : memref<50176xi32, #tpu.memory_space<hbm>> -> memref<784xi32, #tpu.memory_space<hbm>>
      %dma_wait3A_22 = tpu.memref_slice %arg3[%add3A_6] : memref<50176xi32, #tpu.memory_space<hbm>> -> memref<784xi32, #tpu.memory_space<hbm>>
      tpu.wait_dma2 semaphore(%run_scoped3A : memref<!tpu.dma_semaphore, #tpu.memory_space<semaphore_mem>>) src(%dma_wait3A_22 : memref<784xi32, #tpu.memory_space<hbm>>) dst(%arg6 : memref<784xi32, #tpu.memory_space<vmem>>)
      tpu.yield
    }) : () -> ()
    %add3A_7 = arith.constant 0 : i32
    %add3A_8 = arith.addi %mul3A_2, %add3A_7 : i32
    "tpu.region"() ({
      %run_scoped3A = tpu.sem_alloc : memref<!tpu.dma_semaphore, #tpu.memory_space<semaphore_mem>>
      %dma_start3A = arith.constant 0 : i32
      %dma_start3A_21 = tpu.memref_slice %arg2[%add3A_8, %dma_start3A] : memref<50176x64xf32, #tpu.memory_space<hbm>> -> memref<784x64xf32, #tpu.memory_space<hbm>>
      %dma_start3A_22 = arith.constant 0 : i32
      %dma_start3A_23 = tpu.memref_slice %arg2[%add3A_8, %dma_start3A_22] : memref<50176x64xf32, #tpu.memory_space<hbm>> -> memref<784x64xf32, #tpu.memory_space<hbm>>
      tpu.enqueue_dma source(%dma_start3A_23 : memref<784x64xf32, #tpu.memory_space<hbm>>) target(%arg7 : memref<784x64xf32, #tpu.memory_space<vmem>>) target_semaphore(%run_scoped3A : memref<!tpu.dma_semaphore, #tpu.memory_space<semaphore_mem>>)
      %dma_wait3A = arith.constant 0 : i32
      %dma_wait3A_24 = tpu.memref_slice %arg2[%add3A_8, %dma_wait3A] : memref<50176x64xf32, #tpu.memory_space<hbm>> -> memref<784x64xf32, #tpu.memory_space<hbm>>
      %dma_wait3A_25 = arith.constant 0 : i32
      %dma_wait3A_26 = tpu.memref_slice %arg2[%add3A_8, %dma_wait3A_25] : memref<50176x64xf32, #tpu.memory_space<hbm>> -> memref<784x64xf32, #tpu.memory_space<hbm>>
      tpu.wait_dma2 semaphore(%run_scoped3A : memref<!tpu.dma_semaphore, #tpu.memory_space<semaphore_mem>>) src(%dma_wait3A_26 : memref<784x64xf32, #tpu.memory_space<hbm>>) dst(%arg7 : memref<784x64xf32, #tpu.memory_space<vmem>>)
      tpu.yield
    }) : () -> ()
    "tpu.region"() ({
      %run_scoped3A = tpu.sem_alloc : memref<!tpu.dma_semaphore, #tpu.memory_space<semaphore_mem>>
      %dma_start3A = arith.constant 0 : i32
      %dma_start3A_21 = arith.constant 0 : i32
      %dma_start3A_22 = tpu.memref_slice %arg8[%dma_start3A, %dma_start3A_21] : memref<10008x64xf32, #tpu.memory_space<vmem_shared>> -> memref<10008x64xf32, #tpu.memory_space<vmem_shared>>
      tpu.enqueue_indirect_dma source(%arg7 : memref<784x64xf32, #tpu.memory_space<vmem>>) target(%dma_start3A_22 : memref<10008x64xf32, #tpu.memory_space<vmem_shared>>) offsets(%arg6 : memref<784xi32, #tpu.memory_space<vmem>>) semaphore(%run_scoped3A : memref<!tpu.dma_semaphore, #tpu.memory_space<semaphore_mem>>) {add = true}
      %dma_wait3A = arith.constant 0 : i32
      %dma_wait3A_23 = arith.constant 0 : i32
      %dma_wait3A_24 = tpu.memref_slice %arg8[%dma_wait3A, %dma_wait3A_23] : memref<10008x64xf32, #tpu.memory_space<vmem_shared>> -> memref<10008x64xf32, #tpu.memory_space<vmem_shared>>
      tpu.wait_indirect_dma semaphore(%run_scoped3A : memref<!tpu.dma_semaphore, #tpu.memory_space<semaphore_mem>>) src(%arg7 : memref<784x64xf32, #tpu.memory_space<vmem>>) dst(%dma_wait3A_24 : memref<10008x64xf32, #tpu.memory_space<vmem_shared>>)
      tpu.yield
    }) : () -> ()
    %add3A_9 = arith.constant 784 : i32
    %add3A_10 = arith.addi %mul3A_2, %add3A_9 : i32
    "tpu.region"() ({
      %run_scoped3A = tpu.sem_alloc : memref<!tpu.dma_semaphore, #tpu.memory_space<semaphore_mem>>
      %dma_start3A = tpu.memref_slice %arg3[%add3A_10] : memref<50176xi32, #tpu.memory_space<hbm>> -> memref<784xi32, #tpu.memory_space<hbm>>
      %dma_start3A_21 = tpu.memref_slice %arg3[%add3A_10] : memref<50176xi32, #tpu.memory_space<hbm>> -> memref<784xi32, #tpu.memory_space<hbm>>
      tpu.enqueue_dma source(%dma_start3A_21 : memref<784xi32, #tpu.memory_space<hbm>>) target(%arg6 : memref<784xi32, #tpu.memory_space<vmem>>) target_semaphore(%run_scoped3A : memref<!tpu.dma_semaphore, #tpu.memory_space<semaphore_mem>>)
      %dma_wait3A = tpu.memref_slice %arg3[%add3A_10] : memref<50176xi32, #tpu.memory_space<hbm>> -> memref<784xi32, #tpu.memory_space<hbm>>
      %dma_wait3A_22 = tpu.memref_slice %arg3[%add3A_10] : memref<50176xi32, #tpu.memory_space<hbm>> -> memref<784xi32, #tpu.memory_space<hbm>>
      tpu.wait_dma2 semaphore(%run_scoped3A : memref<!tpu.dma_semaphore, #tpu.memory_space<semaphore_mem>>) src(%dma_wait3A_22 : memref<784xi32, #tpu.memory_space<hbm>>) dst(%arg6 : memref<784xi32, #tpu.memory_space<vmem>>)
      tpu.yield
    }) : () -> ()
    %add3A_11 = arith.constant 784 : i32
    %add3A_12 = arith.addi %mul3A_2, %add3A_11 : i32
    "tpu.region"() ({
      %run_scoped3A = tpu.sem_alloc : memref<!tpu.dma_semaphore, #tpu.memory_space<semaphore_mem>>
      %dma_start3A = arith.constant 0 : i32
      %dma_start3A_21 = tpu.memref_slice %arg2[%add3A_12, %dma_start3A] : memref<50176x64xf32, #tpu.memory_space<hbm>> -> memref<784x64xf32, #tpu.memory_space<hbm>>
      %dma_start3A_22 = arith.constant 0 : i32
      %dma_start3A_23 = tpu.memref_slice %arg2[%add3A_12, %dma_start3A_22] : memref<50176x64xf32, #tpu.memory_space<hbm>> -> memref<784x64xf32, #tpu.memory_space<hbm>>
      tpu.enqueue_dma source(%dma_start3A_23 : memref<784x64xf32, #tpu.memory_space<hbm>>) target(%arg7 : memref<784x64xf32, #tpu.memory_space<vmem>>) target_semaphore(%run_scoped3A : memref<!tpu.dma_semaphore, #tpu.memory_space<semaphore_mem>>)
      %dma_wait3A = arith.constant 0 : i32
      %dma_wait3A_24 = tpu.memref_slice %arg2[%add3A_12, %dma_wait3A] : memref<50176x64xf32, #tpu.memory_space<hbm>> -> memref<784x64xf32, #tpu.memory_space<hbm>>
      %dma_wait3A_25 = arith.constant 0 : i32
      %dma_wait3A_26 = tpu.memref_slice %arg2[%add3A_12, %dma_wait3A_25] : memref<50176x64xf32, #tpu.memory_space<hbm>> -> memref<784x64xf32, #tpu.memory_space<hbm>>
      tpu.wait_dma2 semaphore(%run_scoped3A : memref<!tpu.dma_semaphore, #tpu.memory_space<semaphore_mem>>) src(%dma_wait3A_26 : memref<784x64xf32, #tpu.memory_space<hbm>>) dst(%arg7 : memref<784x64xf32, #tpu.memory_space<vmem>>)
      tpu.yield
    }) : () -> ()
    "tpu.region"() ({
      %run_scoped3A = tpu.sem_alloc : memref<!tpu.dma_semaphore, #tpu.memory_space<semaphore_mem>>
      %dma_start3A = arith.constant 0 : i32
      %dma_start3A_21 = arith.constant 0 : i32
      %dma_start3A_22 = tpu.memref_slice %arg8[%dma_start3A, %dma_start3A_21] : memref<10008x64xf32, #tpu.memory_space<vmem_shared>> -> memref<10008x64xf32, #tpu.memory_space<vmem_shared>>
      tpu.enqueue_indirect_dma source(%arg7 : memref<784x64xf32, #tpu.memory_space<vmem>>) target(%dma_start3A_22 : memref<10008x64xf32, #tpu.memory_space<vmem_shared>>) offsets(%arg6 : memref<784xi32, #tpu.memory_space<vmem>>) semaphore(%run_scoped3A : memref<!tpu.dma_semaphore, #tpu.memory_space<semaphore_mem>>) {add = true}
      %dma_wait3A = arith.constant 0 : i32
      %dma_wait3A_23 = arith.constant 0 : i32
      %dma_wait3A_24 = tpu.memref_slice %arg8[%dma_wait3A, %dma_wait3A_23] : memref<10008x64xf32, #tpu.memory_space<vmem_shared>> -> memref<10008x64xf32, #tpu.memory_space<vmem_shared>>
      tpu.wait_indirect_dma semaphore(%run_scoped3A : memref<!tpu.dma_semaphore, #tpu.memory_space<semaphore_mem>>) src(%arg7 : memref<784x64xf32, #tpu.memory_space<vmem>>) dst(%dma_wait3A_24 : memref<10008x64xf32, #tpu.memory_space<vmem_shared>>)
      tpu.yield
    }) : () -> ()
    %barrier3A_13 = arith.constant 0 : index
    tpu.barrier barrier_id(%barrier3A_13)
    %mul3A_14 = arith.constant 625 : i32
    %mul3A_15 = arith.muli %arg1, %mul3A_14 : i32
    %mul3A_16 = arith.constant 10000 : i32
    %mul3A_17 = arith.muli %arg0, %mul3A_16 : i32
    %mul3A_18 = arith.constant 625 : i32
    %mul3A_19 = arith.muli %arg1, %mul3A_18 : i32
    %add3A_20 = arith.addi %mul3A_17, %mul3A_19 : i32
    "tpu.region"() ({
      %run_scoped3A = tpu.sem_alloc : memref<!tpu.dma_semaphore, #tpu.memory_space<semaphore_mem>>
      %dma_start3A = arith.constant 0 : i32
      %dma_start3A_21 = tpu.memref_slice %arg5[%add3A_20, %dma_start3A] : memref<20000x64xf32, #tpu.memory_space<hbm>> -> memref<625x64xf32, #tpu.memory_space<hbm>>
      %dma_start3A_22 = arith.constant 0 : i32
      %dma_start3A_23 = tpu.memref_slice %arg8[%mul3A_15, %dma_start3A_22] : memref<10008x64xf32, #tpu.memory_space<vmem_shared>> -> memref<625x64xf32, #tpu.memory_space<vmem_shared>>
      tpu.enqueue_dma source(%dma_start3A_23 : memref<625x64xf32, #tpu.memory_space<vmem_shared>>) target(%dma_start3A_21 : memref<625x64xf32, #tpu.memory_space<hbm>>) target_semaphore(%run_scoped3A : memref<!tpu.dma_semaphore, #tpu.memory_space<semaphore_mem>>)
      %dma_wait3A = arith.constant 0 : i32
      %dma_wait3A_24 = tpu.memref_slice %arg5[%add3A_20, %dma_wait3A] : memref<20000x64xf32, #tpu.memory_space<hbm>> -> memref<625x64xf32, #tpu.memory_space<hbm>>
      %dma_wait3A_25 = arith.constant 0 : i32
      %dma_wait3A_26 = tpu.memref_slice %arg8[%mul3A_15, %dma_wait3A_25] : memref<10008x64xf32, #tpu.memory_space<vmem_shared>> -> memref<625x64xf32, #tpu.memory_space<vmem_shared>>
      tpu.wait_dma2 semaphore(%run_scoped3A : memref<!tpu.dma_semaphore, #tpu.memory_space<semaphore_mem>>) src(%dma_wait3A_26 : memref<625x64xf32, #tpu.memory_space<vmem_shared>>) dst(%dma_wait3A_24 : memref<625x64xf32, #tpu.memory_space<hbm>>)
      tpu.yield
    }) : () -> ()
    return
  }
}

#map = affine_map<(d0, d1) -> (0, 0)>
#map1 = affine_map<(d0, d1) -> (0)>
module attributes {stable_mosaic.version = 14 : i64} {
  func.func @k(%arg0: i32, %arg1: i32, %arg2: memref<10000x64xf32, #tpu.memory_space<hbm>>, %arg3: memref<50176xi32, #tpu.memory_space<hbm>>, %arg4: memref<50176x64xf32, #tpu.memory_space<hbm>>, %arg5: memref<1568xi32, #tpu.memory_space<vmem>>, %arg6: memref<1568x64xf32, #tpu.memory_space<vmem>>, %arg7: memref<!tpu.dma_semaphore, #tpu.memory_space<semaphore_mem>>) attributes {dimension_semantics = [#tpu.dimension_semantics<core_parallel>, #tpu.dimension_semantics<subcore_parallel>], iteration_bounds = array<i64: 2, 16>, scalar_prefetch = 0 : i64, scratch_operands = 3 : i64, tpu.core_type = #tpu.core_type<sc_vector_subcore>, window_params = [{transform_indices = #map}, {transform_indices = #map1}, {transform_indices = #map}]} {
    %mul3A = arith.constant 2 : i32
    %mul3A_0 = arith.muli %arg1, %mul3A : i32
    %add3A = arith.addi %mul3A_0, %arg0 : i32
    %mul3A_1 = arith.constant 1568 : i32
    %mul3A_2 = arith.muli %add3A, %mul3A_1 : i32
    "tpu.region"() ({
      %run_scoped3A = tpu.sem_alloc : memref<!tpu.dma_semaphore, #tpu.memory_space<semaphore_mem>>
      %dma_start3A_7 = tpu.memref_slice %arg3[%mul3A_2] : memref<50176xi32, #tpu.memory_space<hbm>> -> memref<1568xi32, #tpu.memory_space<hbm>>
      %dma_start3A_8 = tpu.memref_slice %arg3[%mul3A_2] : memref<50176xi32, #tpu.memory_space<hbm>> -> memref<1568xi32, #tpu.memory_space<hbm>>
      tpu.enqueue_dma source(%dma_start3A_8 : memref<1568xi32, #tpu.memory_space<hbm>>) target(%arg5 : memref<1568xi32, #tpu.memory_space<vmem>>) target_semaphore(%run_scoped3A : memref<!tpu.dma_semaphore, #tpu.memory_space<semaphore_mem>>)
      %dma_wait3A_9 = tpu.memref_slice %arg3[%mul3A_2] : memref<50176xi32, #tpu.memory_space<hbm>> -> memref<1568xi32, #tpu.memory_space<hbm>>
      %dma_wait3A_10 = tpu.memref_slice %arg3[%mul3A_2] : memref<50176xi32, #tpu.memory_space<hbm>> -> memref<1568xi32, #tpu.memory_space<hbm>>
      tpu.wait_dma2 semaphore(%run_scoped3A : memref<!tpu.dma_semaphore, #tpu.memory_space<semaphore_mem>>) src(%dma_wait3A_10 : memref<1568xi32, #tpu.memory_space<hbm>>) dst(%arg5 : memref<1568xi32, #tpu.memory_space<vmem>>)
      tpu.yield
    }) : () -> ()
    %dma_start3A = arith.constant 0 : i32
    %dma_start3A_3 = arith.constant 0 : i32
    %dma_start3A_4 = tpu.memref_slice %arg2[%dma_start3A, %dma_start3A_3] : memref<10000x64xf32, #tpu.memory_space<hbm>> -> memref<10000x64xf32, #tpu.memory_space<hbm>>
    tpu.enqueue_indirect_dma source(%dma_start3A_4 : memref<10000x64xf32, #tpu.memory_space<hbm>>) target(%arg6 : memref<1568x64xf32, #tpu.memory_space<vmem>>) offsets(%arg5 : memref<1568xi32, #tpu.memory_space<vmem>>) semaphore(%arg7 : memref<!tpu.dma_semaphore, #tpu.memory_space<semaphore_mem>>)
    %dma_wait3A = arith.constant 0 : i32
    %dma_wait3A_5 = arith.constant 0 : i32
    %dma_wait3A_6 = tpu.memref_slice %arg2[%dma_wait3A, %dma_wait3A_5] : memref<10000x64xf32, #tpu.memory_space<hbm>> -> memref<10000x64xf32, #tpu.memory_space<hbm>>
    tpu.wait_indirect_dma semaphore(%arg7 : memref<!tpu.dma_semaphore, #tpu.memory_space<semaphore_mem>>) src(%dma_wait3A_6 : memref<10000x64xf32, #tpu.memory_space<hbm>>) dst(%arg6 : memref<1568x64xf32, #tpu.memory_space<vmem>>)
    "tpu.region"() ({
      %run_scoped3A = tpu.sem_alloc : memref<!tpu.dma_semaphore, #tpu.memory_space<semaphore_mem>>
      %dma_start3A_7 = arith.constant 0 : i32
      %dma_start3A_8 = tpu.memref_slice %arg4[%mul3A_2, %dma_start3A_7] : memref<50176x64xf32, #tpu.memory_space<hbm>> -> memref<1568x64xf32, #tpu.memory_space<hbm>>
      %dma_start3A_9 = arith.constant 0 : i32
      %dma_start3A_10 = tpu.memref_slice %arg4[%mul3A_2, %dma_start3A_9] : memref<50176x64xf32, #tpu.memory_space<hbm>> -> memref<1568x64xf32, #tpu.memory_space<hbm>>
      tpu.enqueue_dma source(%arg6 : memref<1568x64xf32, #tpu.memory_space<vmem>>) target(%dma_start3A_10 : memref<1568x64xf32, #tpu.memory_space<hbm>>) target_semaphore(%run_scoped3A : memref<!tpu.dma_semaphore, #tpu.memory_space<semaphore_mem>>)
      %dma_wait3A_11 = arith.constant 0 : i32
      %dma_wait3A_12 = tpu.memref_slice %arg4[%mul3A_2, %dma_wait3A_11] : memref<50176x64xf32, #tpu.memory_space<hbm>> -> memref<1568x64xf32, #tpu.memory_space<hbm>>
      %dma_wait3A_13 = arith.constant 0 : i32
      %dma_wait3A_14 = tpu.memref_slice %arg4[%mul3A_2, %dma_wait3A_13] : memref<50176x64xf32, #tpu.memory_space<hbm>> -> memref<1568x64xf32, #tpu.memory_space<hbm>>
      tpu.wait_dma2 semaphore(%run_scoped3A : memref<!tpu.dma_semaphore, #tpu.memory_space<semaphore_mem>>) src(%arg6 : memref<1568x64xf32, #tpu.memory_space<vmem>>) dst(%dma_wait3A_14 : memref<1568x64xf32, #tpu.memory_space<hbm>>)
      tpu.yield
    }) : () -> ()
    return
  }
}

module attributes {stable_mosaic.version = 14 : i64} {
  func.func @body(%arg0: i32, %arg1: memref<1024x64xf32, #tpu.memory_space<vmem>>, %arg2: memref<1024x64xf32, #tpu.memory_space<vmem>>, %arg3: memref<64x128xf32, #tpu.memory_space<vmem>>, %arg4: memref<1x128xf32, #tpu.memory_space<vmem>>, %arg5: memref<4096x128xbf16, #tpu.memory_space<vmem>>, %arg6: memref<64x64xf32, #tpu.memory_space<vmem>>, %arg7: memref<1024x64xf32, #tpu.memory_space<vmem>>) attributes {dimension_semantics = [#tpu.dimension_semantics<parallel>], iteration_bounds = array<i64: 49>, scalar_prefetch = 0 : i64, scratch_operands = 0 : i64, tpu.core_type = #tpu.core_type<tc>, window_params = [{transform_indices = @transform_0, window_bounds = array<i64: 1024, 64>}, {transform_indices = @transform_1, window_bounds = array<i64: 1024, 64>}, {pipeline_mode = #tpu.pipeline_mode<synchronous>, transform_indices = @transform_2, window_bounds = array<i64: 64, 128>}, {pipeline_mode = #tpu.pipeline_mode<synchronous>, transform_indices = @transform_3, window_bounds = array<i64: 1, 128>}, {pipeline_mode = #tpu.pipeline_mode<synchronous>, transform_indices = @transform_4, window_bounds = array<i64: 4096, 128>}, {pipeline_mode = #tpu.pipeline_mode<synchronous>, transform_indices = @transform_5, window_bounds = array<i64: 64, 64>}, {transform_indices = @transform_6, window_bounds = array<i64: 1024, 64>}]} {
    %get3A = arith.constant 0 : index
    %get3A_0 = arith.constant 0 : index
    %get3A_1 = vector.load %arg1[%get3A, %get3A_0] : memref<1024x64xf32, #tpu.memory_space<vmem>>, vector<1024x64xf32>
    %get3A_2 = arith.constant 0 : index
    %get3A_3 = arith.constant 0 : index
    %get3A_4 = vector.load %arg3[%get3A_2, %get3A_3] : memref<64x128xf32, #tpu.memory_space<vmem>>, vector<64x128xf32>
    %dot_general3A = arith.constant dense<0.000000e+00> : vector<1024x128xf32>
    %dot_general3A_5 = tpu.matmul %get3A_1, %get3A_4, %dot_general3A {dimension_numbers = #tpu.dot_dimension_numbers<[1], [0], [0], [1], [0, 0, 1, 1], [], []>, transpose_lhs_hint = false} : vector<1024x64xf32>, vector<64x128xf32>, vector<1024x128xf32> -> vector<1024x128xf32>
    %get3A_6 = arith.constant 0 : index
    %get3A_7 = arith.constant 0 : index
    %get3A_8 = vector.load %arg4[%get3A_6, %get3A_7] : memref<1x128xf32, #tpu.memory_space<vmem>>, vector<1x128xf32>
    %add3A = vector.broadcast %get3A_8 : vector<1x128xf32> to vector<1024x128xf32>
    %add3A_9 = arith.addf %dot_general3A_5, %add3A : vector<1024x128xf32>
    %max3A = arith.constant 0.000000e+00 : f32
    %max3A_10 = vector.broadcast %max3A : f32 to vector<1024x128xf32>
    %max3A_11 = arith.maximumf %add3A_9, %max3A_10 : vector<1024x128xf32>
    %convert_element_type3A = arith.truncf %max3A_11 : vector<1024x128xf32> to vector<1024x128xbf16>
    %transpose3A = tpu.transpose %convert_element_type3A, [1, 0] : vector<1024x128xbf16> -> vector<128x1024xbf16>
    %get3A_12 = arith.constant 0 : index
    %get3A_13 = arith.constant 0 : index
    %get3A_14 = vector.load %arg5[%get3A_12, %get3A_13] : memref<4096x128xbf16, #tpu.memory_space<vmem>>, vector<4096x128xbf16>
    %get3A_15 = arith.constant 0 : index
    %get3A_16 = arith.constant 0 : index
    %get3A_17 = vector.load %arg2[%get3A_15, %get3A_16] : memref<1024x64xf32, #tpu.memory_space<vmem>>, vector<1024x64xf32>
    %transpose3A_18 = tpu.transpose %get3A_17, [1, 0] : vector<1024x64xf32> -> vector<64x1024xf32>
    %get3A_19 = arith.constant 0 : index
    %get3A_20 = arith.constant 0 : index
    %get3A_21 = vector.load %arg6[%get3A_19, %get3A_20] : memref<64x64xf32, #tpu.memory_space<vmem>>, vector<64x64xf32>
    %dot_general3A_22 = arith.constant dense<0.000000e+00> : vector<64x1024xf32>
    %dot_general3A_23 = tpu.matmul %get3A_21, %transpose3A_18, %dot_general3A_22 {dimension_numbers = #tpu.dot_dimension_numbers<[1], [0], [0], [1], [0, 0, 1, 1], [], []>, transpose_lhs_hint = false} : vector<64x64xf32>, vector<64x1024xf32>, vector<64x1024xf32> -> vector<64x1024xf32>
    %broadcast_in_dim3A = arith.constant 0.000000e+00 : f32
    %broadcast_in_dim3A_24 = vector.broadcast %broadcast_in_dim3A : f32 to vector<64x1024xf32>
    %broadcast_in_dim3A_25 = arith.constant 0.000000e+00 : f32
    %broadcast_in_dim3A_26 = vector.broadcast %broadcast_in_dim3A_25 : f32 to vector<64x1024xf32>
    %broadcast_in_dim3A_27 = arith.constant 0.000000e+00 : f32
    %broadcast_in_dim3A_28 = vector.broadcast %broadcast_in_dim3A_27 : f32 to vector<64x1024xf32>
    %broadcast_in_dim3A_29 = arith.constant 0.000000e+00 : f32
    %broadcast_in_dim3A_30 = vector.broadcast %broadcast_in_dim3A_29 : f32 to vector<64x1024xf32>
    %broadcast_in_dim3A_31 = arith.constant 0.000000e+00 : f32
    %broadcast_in_dim3A_32 = vector.broadcast %broadcast_in_dim3A_31 : f32 to vector<64x1024xf32>
    %broadcast_in_dim3A_33 = arith.constant 0.000000e+00 : f32
    %broadcast_in_dim3A_34 = vector.broadcast %broadcast_in_dim3A_33 : f32 to vector<64x1024xf32>
    %broadcast_in_dim3A_35 = arith.constant 0.000000e+00 : f32
    %broadcast_in_dim3A_36 = vector.broadcast %broadcast_in_dim3A_35 : f32 to vector<64x1024xf32>
    %slice3A = vector.extract_strided_slice %get3A_14 {offsets = [0, 0], sizes = [512, 128], strides = [1, 1]} : vector<4096x128xbf16> to vector<512x128xbf16>
    %dot_general3A_37 = arith.constant dense<0.000000e+00> : vector<512x1024xf32>
    %dot_general3A_38 = tpu.matmul %slice3A, %transpose3A, %dot_general3A_37 {dimension_numbers = #tpu.dot_dimension_numbers<[1], [0], [0], [1], [0, 0, 1, 1], [], []>, transpose_lhs_hint = false} : vector<512x128xbf16>, vector<128x1024xbf16>, vector<512x1024xf32> -> vector<512x1024xf32>
    %slice3A_39 = vector.extract_strided_slice %transpose3A_18 {offsets = [0, 0], sizes = [1, 1024], strides = [1, 1]} : vector<64x1024xf32> to vector<1x1024xf32>
    %slice3A_40 = vector.extract_strided_slice %dot_general3A_38 {offsets = [0, 0], sizes = [64, 1024], strides = [1, 1]} : vector<512x1024xf32> to vector<64x1024xf32>
    %mul3A = vector.broadcast %slice3A_39 : vector<1x1024xf32> to vector<64x1024xf32>
    %mul3A_41 = arith.mulf %mul3A, %slice3A_40 : vector<64x1024xf32>
    %add3A_42 = arith.addf %dot_general3A_23, %mul3A_41 : vector<64x1024xf32>
    %slice3A_43 = vector.extract_strided_slice %transpose3A_18 {offsets = [1, 0], sizes = [1, 1024], strides = [1, 1]} : vector<64x1024xf32> to vector<1x1024xf32>
    %slice3A_44 = vector.extract_strided_slice %dot_general3A_38 {offsets = [64, 0], sizes = [64, 1024], strides = [1, 1]} : vector<512x1024xf32> to vector<64x1024xf32>
    %mul3A_45 = vector.broadcast %slice3A_43 : vector<1x1024xf32> to vector<64x1024xf32>
    %mul3A_46 = arith.mulf %mul3A_45, %slice3A_44 : vector<64x1024xf32>
    %add3A_47 = arith.addf %broadcast_in_dim3A_24, %mul3A_46 : vector<64x1024xf32>
    %slice3A_48 = vector.extract_strided_slice %transpose3A_18 {offsets = [2, 0], sizes = [1, 1024], strides = [1, 1]} : vector<64x1024xf32> to vector<1x1024xf32>
    %slice3A_49 = vector.extract_strided_slice %dot_general3A_38 {offsets = [128, 0], sizes = [64, 1024], strides = [1, 1]} : vector<512x1024xf32> to vector<64x1024xf32>
    %mul3A_50 = vector.broadcast %slice3A_48 : vector<1x1024xf32> to vector<64x1024xf32>
    %mul3A_51 = arith.mulf %mul3A_50, %slice3A_49 : vector<64x1024xf32>
    %add3A_52 = arith.addf %broadcast_in_dim3A_26, %mul3A_51 : vector<64x1024xf32>
    %slice3A_53 = vector.extract_strided_slice %transpose3A_18 {offsets = [3, 0], sizes = [1, 1024], strides = [1, 1]} : vector<64x1024xf32> to vector<1x1024xf32>
    %slice3A_54 = vector.extract_strided_slice %dot_general3A_38 {offsets = [192, 0], sizes = [64, 1024], strides = [1, 1]} : vector<512x1024xf32> to vector<64x1024xf32>
    %mul3A_55 = vector.broadcast %slice3A_53 : vector<1x1024xf32> to vector<64x1024xf32>
    %mul3A_56 = arith.mulf %mul3A_55, %slice3A_54 : vector<64x1024xf32>
    %add3A_57 = arith.addf %broadcast_in_dim3A_28, %mul3A_56 : vector<64x1024xf32>
    %slice3A_58 = vector.extract_strided_slice %transpose3A_18 {offsets = [4, 0], sizes = [1, 1024], strides = [1, 1]} : vector<64x1024xf32> to vector<1x1024xf32>
    %slice3A_59 = vector.extract_strided_slice %dot_general3A_38 {offsets = [256, 0], sizes = [64, 1024], strides = [1, 1]} : vector<512x1024xf32> to vector<64x1024xf32>
    %mul3A_60 = vector.broadcast %slice3A_58 : vector<1x1024xf32> to vector<64x1024xf32>
    %mul3A_61 = arith.mulf %mul3A_60, %slice3A_59 : vector<64x1024xf32>
    %add3A_62 = arith.addf %broadcast_in_dim3A_30, %mul3A_61 : vector<64x1024xf32>
    %slice3A_63 = vector.extract_strided_slice %transpose3A_18 {offsets = [5, 0], sizes = [1, 1024], strides = [1, 1]} : vector<64x1024xf32> to vector<1x1024xf32>
    %slice3A_64 = vector.extract_strided_slice %dot_general3A_38 {offsets = [320, 0], sizes = [64, 1024], strides = [1, 1]} : vector<512x1024xf32> to vector<64x1024xf32>
    %mul3A_65 = vector.broadcast %slice3A_63 : vector<1x1024xf32> to vector<64x1024xf32>
    %mul3A_66 = arith.mulf %mul3A_65, %slice3A_64 : vector<64x1024xf32>
    %add3A_67 = arith.addf %broadcast_in_dim3A_32, %mul3A_66 : vector<64x1024xf32>
    %slice3A_68 = vector.extract_strided_slice %transpose3A_18 {offsets = [6, 0], sizes = [1, 1024], strides = [1, 1]} : vector<64x1024xf32> to vector<1x1024xf32>
    %slice3A_69 = vector.extract_strided_slice %dot_general3A_38 {offsets = [384, 0], sizes = [64, 1024], strides = [1, 1]} : vector<512x1024xf32> to vector<64x1024xf32>
    %mul3A_70 = vector.broadcast %slice3A_68 : vector<1x1024xf32> to vector<64x1024xf32>
    %mul3A_71 = arith.mulf %mul3A_70, %slice3A_69 : vector<64x1024xf32>
    %add3A_72 = arith.addf %broadcast_in_dim3A_34, %mul3A_71 : vector<64x1024xf32>
    %slice3A_73 = vector.extract_strided_slice %transpose3A_18 {offsets = [7, 0], sizes = [1, 1024], strides = [1, 1]} : vector<64x1024xf32> to vector<1x1024xf32>
    %slice3A_74 = vector.extract_strided_slice %dot_general3A_38 {offsets = [448, 0], sizes = [64, 1024], strides = [1, 1]} : vector<512x1024xf32> to vector<64x1024xf32>
    %mul3A_75 = vector.broadcast %slice3A_73 : vector<1x1024xf32> to vector<64x1024xf32>
    %mul3A_76 = arith.mulf %mul3A_75, %slice3A_74 : vector<64x1024xf32>
    %add3A_77 = arith.addf %broadcast_in_dim3A_36, %mul3A_76 : vector<64x1024xf32>
    %slice3A_78 = vector.extract_strided_slice %get3A_14 {offsets = [512, 0], sizes = [512, 128], strides = [1, 1]} : vector<4096x128xbf16> to vector<512x128xbf16>
    %dot_general3A_79 = arith.constant dense<0.000000e+00> : vector<512x1024xf32>
    %dot_general3A_80 = tpu.matmul %slice3A_78, %transpose3A, %dot_general3A_79 {dimension_numbers = #tpu.dot_dimension_numbers<[1], [0], [0], [1], [0, 0, 1, 1], [], []>, transpose_lhs_hint = false} : vector<512x128xbf16>, vector<128x1024xbf16>, vector<512x1024xf32> -> vector<512x1024xf32>
    %slice3A_81 = vector.extract_strided_slice %transpose3A_18 {offsets = [8, 0], sizes = [1, 1024], strides = [1, 1]} : vector<64x1024xf32> to vector<1x1024xf32>
    %slice3A_82 = vector.extract_strided_slice %dot_general3A_80 {offsets = [0, 0], sizes = [64, 1024], strides = [1, 1]} : vector<512x1024xf32> to vector<64x1024xf32>
    %mul3A_83 = vector.broadcast %slice3A_81 : vector<1x1024xf32> to vector<64x1024xf32>
    %mul3A_84 = arith.mulf %mul3A_83, %slice3A_82 : vector<64x1024xf32>
    %add3A_85 = arith.addf %add3A_42, %mul3A_84 : vector<64x1024xf32>
    %slice3A_86 = vector.extract_strided_slice %transpose3A_18 {offsets = [9, 0], sizes = [1, 1024], strides = [1, 1]} : vector<64x1024xf32> to vector<1x1024xf32>
    %slice3A_87 = vector.extract_strided_slice %dot_general3A_80 {offsets = [64, 0], sizes = [64, 1024], strides = [1, 1]} : vector<512x1024xf32> to vector<64x1024xf32>
    %mul3A_88 = vector.broadcast %slice3A_86 : vector<1x1024xf32> to vector<64x1024xf32>
    %mul3A_89 = arith.mulf %mul3A_88, %slice3A_87 : vector<64x1024xf32>
    %add3A_90 = arith.addf %add3A_47, %mul3A_89 : vector<64x1024xf32>
    %slice3A_91 = vector.extract_strided_slice %transpose3A_18 {offsets = [10, 0], sizes = [1, 1024], strides = [1, 1]} : vector<64x1024xf32> to vector<1x1024xf32>
    %slice3A_92 = vector.extract_strided_slice %dot_general3A_80 {offsets = [128, 0], sizes = [64, 1024], strides = [1, 1]} : vector<512x1024xf32> to vector<64x1024xf32>
    %mul3A_93 = vector.broadcast %slice3A_91 : vector<1x1024xf32> to vector<64x1024xf32>
    %mul3A_94 = arith.mulf %mul3A_93, %slice3A_92 : vector<64x1024xf32>
    %add3A_95 = arith.addf %add3A_52, %mul3A_94 : vector<64x1024xf32>
    %slice3A_96 = vector.extract_strided_slice %transpose3A_18 {offsets = [11, 0], sizes = [1, 1024], strides = [1, 1]} : vector<64x1024xf32> to vector<1x1024xf32>
    %slice3A_97 = vector.extract_strided_slice %dot_general3A_80 {offsets = [192, 0], sizes = [64, 1024], strides = [1, 1]} : vector<512x1024xf32> to vector<64x1024xf32>
    %mul3A_98 = vector.broadcast %slice3A_96 : vector<1x1024xf32> to vector<64x1024xf32>
    %mul3A_99 = arith.mulf %mul3A_98, %slice3A_97 : vector<64x1024xf32>
    %add3A_100 = arith.addf %add3A_57, %mul3A_99 : vector<64x1024xf32>
    %slice3A_101 = vector.extract_strided_slice %transpose3A_18 {offsets = [12, 0], sizes = [1, 1024], strides = [1, 1]} : vector<64x1024xf32> to vector<1x1024xf32>
    %slice3A_102 = vector.extract_strided_slice %dot_general3A_80 {offsets = [256, 0], sizes = [64, 1024], strides = [1, 1]} : vector<512x1024xf32> to vector<64x1024xf32>
    %mul3A_103 = vector.broadcast %slice3A_101 : vector<1x1024xf32> to vector<64x1024xf32>
    %mul3A_104 = arith.mulf %mul3A_103, %slice3A_102 : vector<64x1024xf32>
    %add3A_105 = arith.addf %add3A_62, %mul3A_104 : vector<64x1024xf32>
    %slice3A_106 = vector.extract_strided_slice %transpose3A_18 {offsets = [13, 0], sizes = [1, 1024], strides = [1, 1]} : vector<64x1024xf32> to vector<1x1024xf32>
    %slice3A_107 = vector.extract_strided_slice %dot_general3A_80 {offsets = [320, 0], sizes = [64, 1024], strides = [1, 1]} : vector<512x1024xf32> to vector<64x1024xf32>
    %mul3A_108 = vector.broadcast %slice3A_106 : vector<1x1024xf32> to vector<64x1024xf32>
    %mul3A_109 = arith.mulf %mul3A_108, %slice3A_107 : vector<64x1024xf32>
    %add3A_110 = arith.addf %add3A_67, %mul3A_109 : vector<64x1024xf32>
    %slice3A_111 = vector.extract_strided_slice %transpose3A_18 {offsets = [14, 0], sizes = [1, 1024], strides = [1, 1]} : vector<64x1024xf32> to vector<1x1024xf32>
    %slice3A_112 = vector.extract_strided_slice %dot_general3A_80 {offsets = [384, 0], sizes = [64, 1024], strides = [1, 1]} : vector<512x1024xf32> to vector<64x1024xf32>
    %mul3A_113 = vector.broadcast %slice3A_111 : vector<1x1024xf32> to vector<64x1024xf32>
    %mul3A_114 = arith.mulf %mul3A_113, %slice3A_112 : vector<64x1024xf32>
    %add3A_115 = arith.addf %add3A_72, %mul3A_114 : vector<64x1024xf32>
    %slice3A_116 = vector.extract_strided_slice %transpose3A_18 {offsets = [15, 0], sizes = [1, 1024], strides = [1, 1]} : vector<64x1024xf32> to vector<1x1024xf32>
    %slice3A_117 = vector.extract_strided_slice %dot_general3A_80 {offsets = [448, 0], sizes = [64, 1024], strides = [1, 1]} : vector<512x1024xf32> to vector<64x1024xf32>
    %mul3A_118 = vector.broadcast %slice3A_116 : vector<1x1024xf32> to vector<64x1024xf32>
    %mul3A_119 = arith.mulf %mul3A_118, %slice3A_117 : vector<64x1024xf32>
    %add3A_120 = arith.addf %add3A_77, %mul3A_119 : vector<64x1024xf32>
    %slice3A_121 = vector.extract_strided_slice %get3A_14 {offsets = [1024, 0], sizes = [512, 128], strides = [1, 1]} : vector<4096x128xbf16> to vector<512x128xbf16>
    %dot_general3A_122 = arith.constant dense<0.000000e+00> : vector<512x1024xf32>
    %dot_general3A_123 = tpu.matmul %slice3A_121, %transpose3A, %dot_general3A_122 {dimension_numbers = #tpu.dot_dimension_numbers<[1], [0], [0], [1], [0, 0, 1, 1], [], []>, transpose_lhs_hint = false} : vector<512x128xbf16>, vector<128x1024xbf16>, vector<512x1024xf32> -> vector<512x1024xf32>
    %slice3A_124 = vector.extract_strided_slice %transpose3A_18 {offsets = [16, 0], sizes = [1, 1024], strides = [1, 1]} : vector<64x1024xf32> to vector<1x1024xf32>
    %slice3A_125 = vector.extract_strided_slice %dot_general3A_123 {offsets = [0, 0], sizes = [64, 1024], strides = [1, 1]} : vector<512x1024xf32> to vector<64x1024xf32>
    %mul3A_126 = vector.broadcast %slice3A_124 : vector<1x1024xf32> to vector<64x1024xf32>
    %mul3A_127 = arith.mulf %mul3A_126, %slice3A_125 : vector<64x1024xf32>
    %add3A_128 = arith.addf %add3A_85, %mul3A_127 : vector<64x1024xf32>
    %slice3A_129 = vector.extract_strided_slice %transpose3A_18 {offsets = [17, 0], sizes = [1, 1024], strides = [1, 1]} : vector<64x1024xf32> to vector<1x1024xf32>
    %slice3A_130 = vector.extract_strided_slice %dot_general3A_123 {offsets = [64, 0], sizes = [64, 1024], strides = [1, 1]} : vector<512x1024xf32> to vector<64x1024xf32>
    %mul3A_131 = vector.broadcast %slice3A_129 : vector<1x1024xf32> to vector<64x1024xf32>
    %mul3A_132 = arith.mulf %mul3A_131, %slice3A_130 : vector<64x1024xf32>
    %add3A_133 = arith.addf %add3A_90, %mul3A_132 : vector<64x1024xf32>
    %slice3A_134 = vector.extract_strided_slice %transpose3A_18 {offsets = [18, 0], sizes = [1, 1024], strides = [1, 1]} : vector<64x1024xf32> to vector<1x1024xf32>
    %slice3A_135 = vector.extract_strided_slice %dot_general3A_123 {offsets = [128, 0], sizes = [64, 1024], strides = [1, 1]} : vector<512x1024xf32> to vector<64x1024xf32>
    %mul3A_136 = vector.broadcast %slice3A_134 : vector<1x1024xf32> to vector<64x1024xf32>
    %mul3A_137 = arith.mulf %mul3A_136, %slice3A_135 : vector<64x1024xf32>
    %add3A_138 = arith.addf %add3A_95, %mul3A_137 : vector<64x1024xf32>
    %slice3A_139 = vector.extract_strided_slice %transpose3A_18 {offsets = [19, 0], sizes = [1, 1024], strides = [1, 1]} : vector<64x1024xf32> to vector<1x1024xf32>
    %slice3A_140 = vector.extract_strided_slice %dot_general3A_123 {offsets = [192, 0], sizes = [64, 1024], strides = [1, 1]} : vector<512x1024xf32> to vector<64x1024xf32>
    %mul3A_141 = vector.broadcast %slice3A_139 : vector<1x1024xf32> to vector<64x1024xf32>
    %mul3A_142 = arith.mulf %mul3A_141, %slice3A_140 : vector<64x1024xf32>
    %add3A_143 = arith.addf %add3A_100, %mul3A_142 : vector<64x1024xf32>
    %slice3A_144 = vector.extract_strided_slice %transpose3A_18 {offsets = [20, 0], sizes = [1, 1024], strides = [1, 1]} : vector<64x1024xf32> to vector<1x1024xf32>
    %slice3A_145 = vector.extract_strided_slice %dot_general3A_123 {offsets = [256, 0], sizes = [64, 1024], strides = [1, 1]} : vector<512x1024xf32> to vector<64x1024xf32>
    %mul3A_146 = vector.broadcast %slice3A_144 : vector<1x1024xf32> to vector<64x1024xf32>
    %mul3A_147 = arith.mulf %mul3A_146, %slice3A_145 : vector<64x1024xf32>
    %add3A_148 = arith.addf %add3A_105, %mul3A_147 : vector<64x1024xf32>
    %slice3A_149 = vector.extract_strided_slice %transpose3A_18 {offsets = [21, 0], sizes = [1, 1024], strides = [1, 1]} : vector<64x1024xf32> to vector<1x1024xf32>
    %slice3A_150 = vector.extract_strided_slice %dot_general3A_123 {offsets = [320, 0], sizes = [64, 1024], strides = [1, 1]} : vector<512x1024xf32> to vector<64x1024xf32>
    %mul3A_151 = vector.broadcast %slice3A_149 : vector<1x1024xf32> to vector<64x1024xf32>
    %mul3A_152 = arith.mulf %mul3A_151, %slice3A_150 : vector<64x1024xf32>
    %add3A_153 = arith.addf %add3A_110, %mul3A_152 : vector<64x1024xf32>
    %slice3A_154 = vector.extract_strided_slice %transpose3A_18 {offsets = [22, 0], sizes = [1, 1024], strides = [1, 1]} : vector<64x1024xf32> to vector<1x1024xf32>
    %slice3A_155 = vector.extract_strided_slice %dot_general3A_123 {offsets = [384, 0], sizes = [64, 1024], strides = [1, 1]} : vector<512x1024xf32> to vector<64x1024xf32>
    %mul3A_156 = vector.broadcast %slice3A_154 : vector<1x1024xf32> to vector<64x1024xf32>
    %mul3A_157 = arith.mulf %mul3A_156, %slice3A_155 : vector<64x1024xf32>
    %add3A_158 = arith.addf %add3A_115, %mul3A_157 : vector<64x1024xf32>
    %slice3A_159 = vector.extract_strided_slice %transpose3A_18 {offsets = [23, 0], sizes = [1, 1024], strides = [1, 1]} : vector<64x1024xf32> to vector<1x1024xf32>
    %slice3A_160 = vector.extract_strided_slice %dot_general3A_123 {offsets = [448, 0], sizes = [64, 1024], strides = [1, 1]} : vector<512x1024xf32> to vector<64x1024xf32>
    %mul3A_161 = vector.broadcast %slice3A_159 : vector<1x1024xf32> to vector<64x1024xf32>
    %mul3A_162 = arith.mulf %mul3A_161, %slice3A_160 : vector<64x1024xf32>
    %add3A_163 = arith.addf %add3A_120, %mul3A_162 : vector<64x1024xf32>
    %slice3A_164 = vector.extract_strided_slice %get3A_14 {offsets = [1536, 0], sizes = [512, 128], strides = [1, 1]} : vector<4096x128xbf16> to vector<512x128xbf16>
    %dot_general3A_165 = arith.constant dense<0.000000e+00> : vector<512x1024xf32>
    %dot_general3A_166 = tpu.matmul %slice3A_164, %transpose3A, %dot_general3A_165 {dimension_numbers = #tpu.dot_dimension_numbers<[1], [0], [0], [1], [0, 0, 1, 1], [], []>, transpose_lhs_hint = false} : vector<512x128xbf16>, vector<128x1024xbf16>, vector<512x1024xf32> -> vector<512x1024xf32>
    %slice3A_167 = vector.extract_strided_slice %transpose3A_18 {offsets = [24, 0], sizes = [1, 1024], strides = [1, 1]} : vector<64x1024xf32> to vector<1x1024xf32>
    %slice3A_168 = vector.extract_strided_slice %dot_general3A_166 {offsets = [0, 0], sizes = [64, 1024], strides = [1, 1]} : vector<512x1024xf32> to vector<64x1024xf32>
    %mul3A_169 = vector.broadcast %slice3A_167 : vector<1x1024xf32> to vector<64x1024xf32>
    %mul3A_170 = arith.mulf %mul3A_169, %slice3A_168 : vector<64x1024xf32>
    %add3A_171 = arith.addf %add3A_128, %mul3A_170 : vector<64x1024xf32>
    %slice3A_172 = vector.extract_strided_slice %transpose3A_18 {offsets = [25, 0], sizes = [1, 1024], strides = [1, 1]} : vector<64x1024xf32> to vector<1x1024xf32>
    %slice3A_173 = vector.extract_strided_slice %dot_general3A_166 {offsets = [64, 0], sizes = [64, 1024], strides = [1, 1]} : vector<512x1024xf32> to vector<64x1024xf32>
    %mul3A_174 = vector.broadcast %slice3A_172 : vector<1x1024xf32> to vector<64x1024xf32>
    %mul3A_175 = arith.mulf %mul3A_174, %slice3A_173 : vector<64x1024xf32>
    %add3A_176 = arith.addf %add3A_133, %mul3A_175 : vector<64x1024xf32>
    %slice3A_177 = vector.extract_strided_slice %transpose3A_18 {offsets = [26, 0], sizes = [1, 1024], strides = [1, 1]} : vector<64x1024xf32> to vector<1x1024xf32>
    %slice3A_178 = vector.extract_strided_slice %dot_general3A_166 {offsets = [128, 0], sizes = [64, 1024], strides = [1, 1]} : vector<512x1024xf32> to vector<64x1024xf32>
    %mul3A_179 = vector.broadcast %slice3A_177 : vector<1x1024xf32> to vector<64x1024xf32>
    %mul3A_180 = arith.mulf %mul3A_179, %slice3A_178 : vector<64x1024xf32>
    %add3A_181 = arith.addf %add3A_138, %mul3A_180 : vector<64x1024xf32>
    %slice3A_182 = vector.extract_strided_slice %transpose3A_18 {offsets = [27, 0], sizes = [1, 1024], strides = [1, 1]} : vector<64x1024xf32> to vector<1x1024xf32>
    %slice3A_183 = vector.extract_strided_slice %dot_general3A_166 {offsets = [192, 0], sizes = [64, 1024], strides = [1, 1]} : vector<512x1024xf32> to vector<64x1024xf32>
    %mul3A_184 = vector.broadcast %slice3A_182 : vector<1x1024xf32> to vector<64x1024xf32>
    %mul3A_185 = arith.mulf %mul3A_184, %slice3A_183 : vector<64x1024xf32>
    %add3A_186 = arith.addf %add3A_143, %mul3A_185 : vector<64x1024xf32>
    %slice3A_187 = vector.extract_strided_slice %transpose3A_18 {offsets = [28, 0], sizes = [1, 1024], strides = [1, 1]} : vector<64x1024xf32> to vector<1x1024xf32>
    %slice3A_188 = vector.extract_strided_slice %dot_general3A_166 {offsets = [256, 0], sizes = [64, 1024], strides = [1, 1]} : vector<512x1024xf32> to vector<64x1024xf32>
    %mul3A_189 = vector.broadcast %slice3A_187 : vector<1x1024xf32> to vector<64x1024xf32>
    %mul3A_190 = arith.mulf %mul3A_189, %slice3A_188 : vector<64x1024xf32>
    %add3A_191 = arith.addf %add3A_148, %mul3A_190 : vector<64x1024xf32>
    %slice3A_192 = vector.extract_strided_slice %transpose3A_18 {offsets = [29, 0], sizes = [1, 1024], strides = [1, 1]} : vector<64x1024xf32> to vector<1x1024xf32>
    %slice3A_193 = vector.extract_strided_slice %dot_general3A_166 {offsets = [320, 0], sizes = [64, 1024], strides = [1, 1]} : vector<512x1024xf32> to vector<64x1024xf32>
    %mul3A_194 = vector.broadcast %slice3A_192 : vector<1x1024xf32> to vector<64x1024xf32>
    %mul3A_195 = arith.mulf %mul3A_194, %slice3A_193 : vector<64x1024xf32>
    %add3A_196 = arith.addf %add3A_153, %mul3A_195 : vector<64x1024xf32>
    %slice3A_197 = vector.extract_strided_slice %transpose3A_18 {offsets = [30, 0], sizes = [1, 1024], strides = [1, 1]} : vector<64x1024xf32> to vector<1x1024xf32>
    %slice3A_198 = vector.extract_strided_slice %dot_general3A_166 {offsets = [384, 0], sizes = [64, 1024], strides = [1, 1]} : vector<512x1024xf32> to vector<64x1024xf32>
    %mul3A_199 = vector.broadcast %slice3A_197 : vector<1x1024xf32> to vector<64x1024xf32>
    %mul3A_200 = arith.mulf %mul3A_199, %slice3A_198 : vector<64x1024xf32>
    %add3A_201 = arith.addf %add3A_158, %mul3A_200 : vector<64x1024xf32>
    %slice3A_202 = vector.extract_strided_slice %transpose3A_18 {offsets = [31, 0], sizes = [1, 1024], strides = [1, 1]} : vector<64x1024xf32> to vector<1x1024xf32>
    %slice3A_203 = vector.extract_strided_slice %dot_general3A_166 {offsets = [448, 0], sizes = [64, 1024], strides = [1, 1]} : vector<512x1024xf32> to vector<64x1024xf32>
    %mul3A_204 = vector.broadcast %slice3A_202 : vector<1x1024xf32> to vector<64x1024xf32>
    %mul3A_205 = arith.mulf %mul3A_204, %slice3A_203 : vector<64x1024xf32>
    %add3A_206 = arith.addf %add3A_163, %mul3A_205 : vector<64x1024xf32>
    %slice3A_207 = vector.extract_strided_slice %get3A_14 {offsets = [2048, 0], sizes = [512, 128], strides = [1, 1]} : vector<4096x128xbf16> to vector<512x128xbf16>
    %dot_general3A_208 = arith.constant dense<0.000000e+00> : vector<512x1024xf32>
    %dot_general3A_209 = tpu.matmul %slice3A_207, %transpose3A, %dot_general3A_208 {dimension_numbers = #tpu.dot_dimension_numbers<[1], [0], [0], [1], [0, 0, 1, 1], [], []>, transpose_lhs_hint = false} : vector<512x128xbf16>, vector<128x1024xbf16>, vector<512x1024xf32> -> vector<512x1024xf32>
    %slice3A_210 = vector.extract_strided_slice %transpose3A_18 {offsets = [32, 0], sizes = [1, 1024], strides = [1, 1]} : vector<64x1024xf32> to vector<1x1024xf32>
    %slice3A_211 = vector.extract_strided_slice %dot_general3A_209 {offsets = [0, 0], sizes = [64, 1024], strides = [1, 1]} : vector<512x1024xf32> to vector<64x1024xf32>
    %mul3A_212 = vector.broadcast %slice3A_210 : vector<1x1024xf32> to vector<64x1024xf32>
    %mul3A_213 = arith.mulf %mul3A_212, %slice3A_211 : vector<64x1024xf32>
    %add3A_214 = arith.addf %add3A_171, %mul3A_213 : vector<64x1024xf32>
    %slice3A_215 = vector.extract_strided_slice %transpose3A_18 {offsets = [33, 0], sizes = [1, 1024], strides = [1, 1]} : vector<64x1024xf32> to vector<1x1024xf32>
    %slice3A_216 = vector.extract_strided_slice %dot_general3A_209 {offsets = [64, 0], sizes = [64, 1024], strides = [1, 1]} : vector<512x1024xf32> to vector<64x1024xf32>
    %mul3A_217 = vector.broadcast %slice3A_215 : vector<1x1024xf32> to vector<64x1024xf32>
    %mul3A_218 = arith.mulf %mul3A_217, %slice3A_216 : vector<64x1024xf32>
    %add3A_219 = arith.addf %add3A_176, %mul3A_218 : vector<64x1024xf32>
    %slice3A_220 = vector.extract_strided_slice %transpose3A_18 {offsets = [34, 0], sizes = [1, 1024], strides = [1, 1]} : vector<64x1024xf32> to vector<1x1024xf32>
    %slice3A_221 = vector.extract_strided_slice %dot_general3A_209 {offsets = [128, 0], sizes = [64, 1024], strides = [1, 1]} : vector<512x1024xf32> to vector<64x1024xf32>
    %mul3A_222 = vector.broadcast %slice3A_220 : vector<1x1024xf32> to vector<64x1024xf32>
    %mul3A_223 = arith.mulf %mul3A_222, %slice3A_221 : vector<64x1024xf32>
    %add3A_224 = arith.addf %add3A_181, %mul3A_223 : vector<64x1024xf32>
    %slice3A_225 = vector.extract_strided_slice %transpose3A_18 {offsets = [35, 0], sizes = [1, 1024], strides = [1, 1]} : vector<64x1024xf32> to vector<1x1024xf32>
    %slice3A_226 = vector.extract_strided_slice %dot_general3A_209 {offsets = [192, 0], sizes = [64, 1024], strides = [1, 1]} : vector<512x1024xf32> to vector<64x1024xf32>
    %mul3A_227 = vector.broadcast %slice3A_225 : vector<1x1024xf32> to vector<64x1024xf32>
    %mul3A_228 = arith.mulf %mul3A_227, %slice3A_226 : vector<64x1024xf32>
    %add3A_229 = arith.addf %add3A_186, %mul3A_228 : vector<64x1024xf32>
    %slice3A_230 = vector.extract_strided_slice %transpose3A_18 {offsets = [36, 0], sizes = [1, 1024], strides = [1, 1]} : vector<64x1024xf32> to vector<1x1024xf32>
    %slice3A_231 = vector.extract_strided_slice %dot_general3A_209 {offsets = [256, 0], sizes = [64, 1024], strides = [1, 1]} : vector<512x1024xf32> to vector<64x1024xf32>
    %mul3A_232 = vector.broadcast %slice3A_230 : vector<1x1024xf32> to vector<64x1024xf32>
    %mul3A_233 = arith.mulf %mul3A_232, %slice3A_231 : vector<64x1024xf32>
    %add3A_234 = arith.addf %add3A_191, %mul3A_233 : vector<64x1024xf32>
    %slice3A_235 = vector.extract_strided_slice %transpose3A_18 {offsets = [37, 0], sizes = [1, 1024], strides = [1, 1]} : vector<64x1024xf32> to vector<1x1024xf32>
    %slice3A_236 = vector.extract_strided_slice %dot_general3A_209 {offsets = [320, 0], sizes = [64, 1024], strides = [1, 1]} : vector<512x1024xf32> to vector<64x1024xf32>
    %mul3A_237 = vector.broadcast %slice3A_235 : vector<1x1024xf32> to vector<64x1024xf32>
    %mul3A_238 = arith.mulf %mul3A_237, %slice3A_236 : vector<64x1024xf32>
    %add3A_239 = arith.addf %add3A_196, %mul3A_238 : vector<64x1024xf32>
    %slice3A_240 = vector.extract_strided_slice %transpose3A_18 {offsets = [38, 0], sizes = [1, 1024], strides = [1, 1]} : vector<64x1024xf32> to vector<1x1024xf32>
    %slice3A_241 = vector.extract_strided_slice %dot_general3A_209 {offsets = [384, 0], sizes = [64, 1024], strides = [1, 1]} : vector<512x1024xf32> to vector<64x1024xf32>
    %mul3A_242 = vector.broadcast %slice3A_240 : vector<1x1024xf32> to vector<64x1024xf32>
    %mul3A_243 = arith.mulf %mul3A_242, %slice3A_241 : vector<64x1024xf32>
    %add3A_244 = arith.addf %add3A_201, %mul3A_243 : vector<64x1024xf32>
    %slice3A_245 = vector.extract_strided_slice %transpose3A_18 {offsets = [39, 0], sizes = [1, 1024], strides = [1, 1]} : vector<64x1024xf32> to vector<1x1024xf32>
    %slice3A_246 = vector.extract_strided_slice %dot_general3A_209 {offsets = [448, 0], sizes = [64, 1024], strides = [1, 1]} : vector<512x1024xf32> to vector<64x1024xf32>
    %mul3A_247 = vector.broadcast %slice3A_245 : vector<1x1024xf32> to vector<64x1024xf32>
    %mul3A_248 = arith.mulf %mul3A_247, %slice3A_246 : vector<64x1024xf32>
    %add3A_249 = arith.addf %add3A_206, %mul3A_248 : vector<64x1024xf32>
    %slice3A_250 = vector.extract_strided_slice %get3A_14 {offsets = [2560, 0], sizes = [512, 128], strides = [1, 1]} : vector<4096x128xbf16> to vector<512x128xbf16>
    %dot_general3A_251 = arith.constant dense<0.000000e+00> : vector<512x1024xf32>
    %dot_general3A_252 = tpu.matmul %slice3A_250, %transpose3A, %dot_general3A_251 {dimension_numbers = #tpu.dot_dimension_numbers<[1], [0], [0], [1], [0, 0, 1, 1], [], []>, transpose_lhs_hint = false} : vector<512x128xbf16>, vector<128x1024xbf16>, vector<512x1024xf32> -> vector<512x1024xf32>
    %slice3A_253 = vector.extract_strided_slice %transpose3A_18 {offsets = [40, 0], sizes = [1, 1024], strides = [1, 1]} : vector<64x1024xf32> to vector<1x1024xf32>
    %slice3A_254 = vector.extract_strided_slice %dot_general3A_252 {offsets = [0, 0], sizes = [64, 1024], strides = [1, 1]} : vector<512x1024xf32> to vector<64x1024xf32>
    %mul3A_255 = vector.broadcast %slice3A_253 : vector<1x1024xf32> to vector<64x1024xf32>
    %mul3A_256 = arith.mulf %mul3A_255, %slice3A_254 : vector<64x1024xf32>
    %add3A_257 = arith.addf %add3A_214, %mul3A_256 : vector<64x1024xf32>
    %slice3A_258 = vector.extract_strided_slice %transpose3A_18 {offsets = [41, 0], sizes = [1, 1024], strides = [1, 1]} : vector<64x1024xf32> to vector<1x1024xf32>
    %slice3A_259 = vector.extract_strided_slice %dot_general3A_252 {offsets = [64, 0], sizes = [64, 1024], strides = [1, 1]} : vector<512x1024xf32> to vector<64x1024xf32>
    %mul3A_260 = vector.broadcast %slice3A_258 : vector<1x1024xf32> to vector<64x1024xf32>
    %mul3A_261 = arith.mulf %mul3A_260, %slice3A_259 : vector<64x1024xf32>
    %add3A_262 = arith.addf %add3A_219, %mul3A_261 : vector<64x1024xf32>
    %slice3A_263 = vector.extract_strided_slice %transpose3A_18 {offsets = [42, 0], sizes = [1, 1024], strides = [1, 1]} : vector<64x1024xf32> to vector<1x1024xf32>
    %slice3A_264 = vector.extract_strided_slice %dot_general3A_252 {offsets = [128, 0], sizes = [64, 1024], strides = [1, 1]} : vector<512x1024xf32> to vector<64x1024xf32>
    %mul3A_265 = vector.broadcast %slice3A_263 : vector<1x1024xf32> to vector<64x1024xf32>
    %mul3A_266 = arith.mulf %mul3A_265, %slice3A_264 : vector<64x1024xf32>
    %add3A_267 = arith.addf %add3A_224, %mul3A_266 : vector<64x1024xf32>
    %slice3A_268 = vector.extract_strided_slice %transpose3A_18 {offsets = [43, 0], sizes = [1, 1024], strides = [1, 1]} : vector<64x1024xf32> to vector<1x1024xf32>
    %slice3A_269 = vector.extract_strided_slice %dot_general3A_252 {offsets = [192, 0], sizes = [64, 1024], strides = [1, 1]} : vector<512x1024xf32> to vector<64x1024xf32>
    %mul3A_270 = vector.broadcast %slice3A_268 : vector<1x1024xf32> to vector<64x1024xf32>
    %mul3A_271 = arith.mulf %mul3A_270, %slice3A_269 : vector<64x1024xf32>
    %add3A_272 = arith.addf %add3A_229, %mul3A_271 : vector<64x1024xf32>
    %slice3A_273 = vector.extract_strided_slice %transpose3A_18 {offsets = [44, 0], sizes = [1, 1024], strides = [1, 1]} : vector<64x1024xf32> to vector<1x1024xf32>
    %slice3A_274 = vector.extract_strided_slice %dot_general3A_252 {offsets = [256, 0], sizes = [64, 1024], strides = [1, 1]} : vector<512x1024xf32> to vector<64x1024xf32>
    %mul3A_275 = vector.broadcast %slice3A_273 : vector<1x1024xf32> to vector<64x1024xf32>
    %mul3A_276 = arith.mulf %mul3A_275, %slice3A_274 : vector<64x1024xf32>
    %add3A_277 = arith.addf %add3A_234, %mul3A_276 : vector<64x1024xf32>
    %slice3A_278 = vector.extract_strided_slice %transpose3A_18 {offsets = [45, 0], sizes = [1, 1024], strides = [1, 1]} : vector<64x1024xf32> to vector<1x1024xf32>
    %slice3A_279 = vector.extract_strided_slice %dot_general3A_252 {offsets = [320, 0], sizes = [64, 1024], strides = [1, 1]} : vector<512x1024xf32> to vector<64x1024xf32>
    %mul3A_280 = vector.broadcast %slice3A_278 : vector<1x1024xf32> to vector<64x1024xf32>
    %mul3A_281 = arith.mulf %mul3A_280, %slice3A_279 : vector<64x1024xf32>
    %add3A_282 = arith.addf %add3A_239, %mul3A_281 : vector<64x1024xf32>
    %slice3A_283 = vector.extract_strided_slice %transpose3A_18 {offsets = [46, 0], sizes = [1, 1024], strides = [1, 1]} : vector<64x1024xf32> to vector<1x1024xf32>
    %slice3A_284 = vector.extract_strided_slice %dot_general3A_252 {offsets = [384, 0], sizes = [64, 1024], strides = [1, 1]} : vector<512x1024xf32> to vector<64x1024xf32>
    %mul3A_285 = vector.broadcast %slice3A_283 : vector<1x1024xf32> to vector<64x1024xf32>
    %mul3A_286 = arith.mulf %mul3A_285, %slice3A_284 : vector<64x1024xf32>
    %add3A_287 = arith.addf %add3A_244, %mul3A_286 : vector<64x1024xf32>
    %slice3A_288 = vector.extract_strided_slice %transpose3A_18 {offsets = [47, 0], sizes = [1, 1024], strides = [1, 1]} : vector<64x1024xf32> to vector<1x1024xf32>
    %slice3A_289 = vector.extract_strided_slice %dot_general3A_252 {offsets = [448, 0], sizes = [64, 1024], strides = [1, 1]} : vector<512x1024xf32> to vector<64x1024xf32>
    %mul3A_290 = vector.broadcast %slice3A_288 : vector<1x1024xf32> to vector<64x1024xf32>
    %mul3A_291 = arith.mulf %mul3A_290, %slice3A_289 : vector<64x1024xf32>
    %add3A_292 = arith.addf %add3A_249, %mul3A_291 : vector<64x1024xf32>
    %slice3A_293 = vector.extract_strided_slice %get3A_14 {offsets = [3072, 0], sizes = [512, 128], strides = [1, 1]} : vector<4096x128xbf16> to vector<512x128xbf16>
    %dot_general3A_294 = arith.constant dense<0.000000e+00> : vector<512x1024xf32>
    %dot_general3A_295 = tpu.matmul %slice3A_293, %transpose3A, %dot_general3A_294 {dimension_numbers = #tpu.dot_dimension_numbers<[1], [0], [0], [1], [0, 0, 1, 1], [], []>, transpose_lhs_hint = false} : vector<512x128xbf16>, vector<128x1024xbf16>, vector<512x1024xf32> -> vector<512x1024xf32>
    %slice3A_296 = vector.extract_strided_slice %transpose3A_18 {offsets = [48, 0], sizes = [1, 1024], strides = [1, 1]} : vector<64x1024xf32> to vector<1x1024xf32>
    %slice3A_297 = vector.extract_strided_slice %dot_general3A_295 {offsets = [0, 0], sizes = [64, 1024], strides = [1, 1]} : vector<512x1024xf32> to vector<64x1024xf32>
    %mul3A_298 = vector.broadcast %slice3A_296 : vector<1x1024xf32> to vector<64x1024xf32>
    %mul3A_299 = arith.mulf %mul3A_298, %slice3A_297 : vector<64x1024xf32>
    %add3A_300 = arith.addf %add3A_257, %mul3A_299 : vector<64x1024xf32>
    %slice3A_301 = vector.extract_strided_slice %transpose3A_18 {offsets = [49, 0], sizes = [1, 1024], strides = [1, 1]} : vector<64x1024xf32> to vector<1x1024xf32>
    %slice3A_302 = vector.extract_strided_slice %dot_general3A_295 {offsets = [64, 0], sizes = [64, 1024], strides = [1, 1]} : vector<512x1024xf32> to vector<64x1024xf32>
    %mul3A_303 = vector.broadcast %slice3A_301 : vector<1x1024xf32> to vector<64x1024xf32>
    %mul3A_304 = arith.mulf %mul3A_303, %slice3A_302 : vector<64x1024xf32>
    %add3A_305 = arith.addf %add3A_262, %mul3A_304 : vector<64x1024xf32>
    %slice3A_306 = vector.extract_strided_slice %transpose3A_18 {offsets = [50, 0], sizes = [1, 1024], strides = [1, 1]} : vector<64x1024xf32> to vector<1x1024xf32>
    %slice3A_307 = vector.extract_strided_slice %dot_general3A_295 {offsets = [128, 0], sizes = [64, 1024], strides = [1, 1]} : vector<512x1024xf32> to vector<64x1024xf32>
    %mul3A_308 = vector.broadcast %slice3A_306 : vector<1x1024xf32> to vector<64x1024xf32>
    %mul3A_309 = arith.mulf %mul3A_308, %slice3A_307 : vector<64x1024xf32>
    %add3A_310 = arith.addf %add3A_267, %mul3A_309 : vector<64x1024xf32>
    %slice3A_311 = vector.extract_strided_slice %transpose3A_18 {offsets = [51, 0], sizes = [1, 1024], strides = [1, 1]} : vector<64x1024xf32> to vector<1x1024xf32>
    %slice3A_312 = vector.extract_strided_slice %dot_general3A_295 {offsets = [192, 0], sizes = [64, 1024], strides = [1, 1]} : vector<512x1024xf32> to vector<64x1024xf32>
    %mul3A_313 = vector.broadcast %slice3A_311 : vector<1x1024xf32> to vector<64x1024xf32>
    %mul3A_314 = arith.mulf %mul3A_313, %slice3A_312 : vector<64x1024xf32>
    %add3A_315 = arith.addf %add3A_272, %mul3A_314 : vector<64x1024xf32>
    %slice3A_316 = vector.extract_strided_slice %transpose3A_18 {offsets = [52, 0], sizes = [1, 1024], strides = [1, 1]} : vector<64x1024xf32> to vector<1x1024xf32>
    %slice3A_317 = vector.extract_strided_slice %dot_general3A_295 {offsets = [256, 0], sizes = [64, 1024], strides = [1, 1]} : vector<512x1024xf32> to vector<64x1024xf32>
    %mul3A_318 = vector.broadcast %slice3A_316 : vector<1x1024xf32> to vector<64x1024xf32>
    %mul3A_319 = arith.mulf %mul3A_318, %slice3A_317 : vector<64x1024xf32>
    %add3A_320 = arith.addf %add3A_277, %mul3A_319 : vector<64x1024xf32>
    %slice3A_321 = vector.extract_strided_slice %transpose3A_18 {offsets = [53, 0], sizes = [1, 1024], strides = [1, 1]} : vector<64x1024xf32> to vector<1x1024xf32>
    %slice3A_322 = vector.extract_strided_slice %dot_general3A_295 {offsets = [320, 0], sizes = [64, 1024], strides = [1, 1]} : vector<512x1024xf32> to vector<64x1024xf32>
    %mul3A_323 = vector.broadcast %slice3A_321 : vector<1x1024xf32> to vector<64x1024xf32>
    %mul3A_324 = arith.mulf %mul3A_323, %slice3A_322 : vector<64x1024xf32>
    %add3A_325 = arith.addf %add3A_282, %mul3A_324 : vector<64x1024xf32>
    %slice3A_326 = vector.extract_strided_slice %transpose3A_18 {offsets = [54, 0], sizes = [1, 1024], strides = [1, 1]} : vector<64x1024xf32> to vector<1x1024xf32>
    %slice3A_327 = vector.extract_strided_slice %dot_general3A_295 {offsets = [384, 0], sizes = [64, 1024], strides = [1, 1]} : vector<512x1024xf32> to vector<64x1024xf32>
    %mul3A_328 = vector.broadcast %slice3A_326 : vector<1x1024xf32> to vector<64x1024xf32>
    %mul3A_329 = arith.mulf %mul3A_328, %slice3A_327 : vector<64x1024xf32>
    %add3A_330 = arith.addf %add3A_287, %mul3A_329 : vector<64x1024xf32>
    %slice3A_331 = vector.extract_strided_slice %transpose3A_18 {offsets = [55, 0], sizes = [1, 1024], strides = [1, 1]} : vector<64x1024xf32> to vector<1x1024xf32>
    %slice3A_332 = vector.extract_strided_slice %dot_general3A_295 {offsets = [448, 0], sizes = [64, 1024], strides = [1, 1]} : vector<512x1024xf32> to vector<64x1024xf32>
    %mul3A_333 = vector.broadcast %slice3A_331 : vector<1x1024xf32> to vector<64x1024xf32>
    %mul3A_334 = arith.mulf %mul3A_333, %slice3A_332 : vector<64x1024xf32>
    %add3A_335 = arith.addf %add3A_292, %mul3A_334 : vector<64x1024xf32>
    %slice3A_336 = vector.extract_strided_slice %get3A_14 {offsets = [3584, 0], sizes = [512, 128], strides = [1, 1]} : vector<4096x128xbf16> to vector<512x128xbf16>
    %dot_general3A_337 = arith.constant dense<0.000000e+00> : vector<512x1024xf32>
    %dot_general3A_338 = tpu.matmul %slice3A_336, %transpose3A, %dot_general3A_337 {dimension_numbers = #tpu.dot_dimension_numbers<[1], [0], [0], [1], [0, 0, 1, 1], [], []>, transpose_lhs_hint = false} : vector<512x128xbf16>, vector<128x1024xbf16>, vector<512x1024xf32> -> vector<512x1024xf32>
    %slice3A_339 = vector.extract_strided_slice %transpose3A_18 {offsets = [56, 0], sizes = [1, 1024], strides = [1, 1]} : vector<64x1024xf32> to vector<1x1024xf32>
    %slice3A_340 = vector.extract_strided_slice %dot_general3A_338 {offsets = [0, 0], sizes = [64, 1024], strides = [1, 1]} : vector<512x1024xf32> to vector<64x1024xf32>
    %mul3A_341 = vector.broadcast %slice3A_339 : vector<1x1024xf32> to vector<64x1024xf32>
    %mul3A_342 = arith.mulf %mul3A_341, %slice3A_340 : vector<64x1024xf32>
    %add3A_343 = arith.addf %add3A_300, %mul3A_342 : vector<64x1024xf32>
    %slice3A_344 = vector.extract_strided_slice %transpose3A_18 {offsets = [57, 0], sizes = [1, 1024], strides = [1, 1]} : vector<64x1024xf32> to vector<1x1024xf32>
    %slice3A_345 = vector.extract_strided_slice %dot_general3A_338 {offsets = [64, 0], sizes = [64, 1024], strides = [1, 1]} : vector<512x1024xf32> to vector<64x1024xf32>
    %mul3A_346 = vector.broadcast %slice3A_344 : vector<1x1024xf32> to vector<64x1024xf32>
    %mul3A_347 = arith.mulf %mul3A_346, %slice3A_345 : vector<64x1024xf32>
    %add3A_348 = arith.addf %add3A_305, %mul3A_347 : vector<64x1024xf32>
    %slice3A_349 = vector.extract_strided_slice %transpose3A_18 {offsets = [58, 0], sizes = [1, 1024], strides = [1, 1]} : vector<64x1024xf32> to vector<1x1024xf32>
    %slice3A_350 = vector.extract_strided_slice %dot_general3A_338 {offsets = [128, 0], sizes = [64, 1024], strides = [1, 1]} : vector<512x1024xf32> to vector<64x1024xf32>
    %mul3A_351 = vector.broadcast %slice3A_349 : vector<1x1024xf32> to vector<64x1024xf32>
    %mul3A_352 = arith.mulf %mul3A_351, %slice3A_350 : vector<64x1024xf32>
    %add3A_353 = arith.addf %add3A_310, %mul3A_352 : vector<64x1024xf32>
    %slice3A_354 = vector.extract_strided_slice %transpose3A_18 {offsets = [59, 0], sizes = [1, 1024], strides = [1, 1]} : vector<64x1024xf32> to vector<1x1024xf32>
    %slice3A_355 = vector.extract_strided_slice %dot_general3A_338 {offsets = [192, 0], sizes = [64, 1024], strides = [1, 1]} : vector<512x1024xf32> to vector<64x1024xf32>
    %mul3A_356 = vector.broadcast %slice3A_354 : vector<1x1024xf32> to vector<64x1024xf32>
    %mul3A_357 = arith.mulf %mul3A_356, %slice3A_355 : vector<64x1024xf32>
    %add3A_358 = arith.addf %add3A_315, %mul3A_357 : vector<64x1024xf32>
    %slice3A_359 = vector.extract_strided_slice %transpose3A_18 {offsets = [60, 0], sizes = [1, 1024], strides = [1, 1]} : vector<64x1024xf32> to vector<1x1024xf32>
    %slice3A_360 = vector.extract_strided_slice %dot_general3A_338 {offsets = [256, 0], sizes = [64, 1024], strides = [1, 1]} : vector<512x1024xf32> to vector<64x1024xf32>
    %mul3A_361 = vector.broadcast %slice3A_359 : vector<1x1024xf32> to vector<64x1024xf32>
    %mul3A_362 = arith.mulf %mul3A_361, %slice3A_360 : vector<64x1024xf32>
    %add3A_363 = arith.addf %add3A_320, %mul3A_362 : vector<64x1024xf32>
    %slice3A_364 = vector.extract_strided_slice %transpose3A_18 {offsets = [61, 0], sizes = [1, 1024], strides = [1, 1]} : vector<64x1024xf32> to vector<1x1024xf32>
    %slice3A_365 = vector.extract_strided_slice %dot_general3A_338 {offsets = [320, 0], sizes = [64, 1024], strides = [1, 1]} : vector<512x1024xf32> to vector<64x1024xf32>
    %mul3A_366 = vector.broadcast %slice3A_364 : vector<1x1024xf32> to vector<64x1024xf32>
    %mul3A_367 = arith.mulf %mul3A_366, %slice3A_365 : vector<64x1024xf32>
    %add3A_368 = arith.addf %add3A_325, %mul3A_367 : vector<64x1024xf32>
    %slice3A_369 = vector.extract_strided_slice %transpose3A_18 {offsets = [62, 0], sizes = [1, 1024], strides = [1, 1]} : vector<64x1024xf32> to vector<1x1024xf32>
    %slice3A_370 = vector.extract_strided_slice %dot_general3A_338 {offsets = [384, 0], sizes = [64, 1024], strides = [1, 1]} : vector<512x1024xf32> to vector<64x1024xf32>
    %mul3A_371 = vector.broadcast %slice3A_369 : vector<1x1024xf32> to vector<64x1024xf32>
    %mul3A_372 = arith.mulf %mul3A_371, %slice3A_370 : vector<64x1024xf32>
    %add3A_373 = arith.addf %add3A_330, %mul3A_372 : vector<64x1024xf32>
    %slice3A_374 = vector.extract_strided_slice %transpose3A_18 {offsets = [63, 0], sizes = [1, 1024], strides = [1, 1]} : vector<64x1024xf32> to vector<1x1024xf32>
    %slice3A_375 = vector.extract_strided_slice %dot_general3A_338 {offsets = [448, 0], sizes = [64, 1024], strides = [1, 1]} : vector<512x1024xf32> to vector<64x1024xf32>
    %mul3A_376 = vector.broadcast %slice3A_374 : vector<1x1024xf32> to vector<64x1024xf32>
    %mul3A_377 = arith.mulf %mul3A_376, %slice3A_375 : vector<64x1024xf32>
    %add3A_378 = arith.addf %add3A_335, %mul3A_377 : vector<64x1024xf32>
    %add3A_379 = arith.addf %add3A_343, %add3A_348 : vector<64x1024xf32>
    %add3A_380 = arith.addf %add3A_353, %add3A_358 : vector<64x1024xf32>
    %add3A_381 = arith.addf %add3A_379, %add3A_380 : vector<64x1024xf32>
    %add3A_382 = arith.addf %add3A_363, %add3A_368 : vector<64x1024xf32>
    %add3A_383 = arith.addf %add3A_381, %add3A_382 : vector<64x1024xf32>
    %add3A_384 = arith.addf %add3A_373, %add3A_378 : vector<64x1024xf32>
    %add3A_385 = arith.addf %add3A_383, %add3A_384 : vector<64x1024xf32>
    %transpose3A_386 = tpu.transpose %add3A_385, [1, 0] : vector<64x1024xf32> -> vector<1024x64xf32>
    %swap3A = arith.constant 0 : index
    %swap3A_387 = arith.constant 0 : index
    %swap3A_388 = vector.load %arg7[%swap3A, %swap3A_387] : memref<1024x64xf32, #tpu.memory_space<vmem>>, vector<1024x64xf32>
    tpu.vector_store %arg7[%swap3A, %swap3A_387], %transpose3A_386 {strides = array<i32>} : memref<1024x64xf32, #tpu.memory_space<vmem>>, vector<1024x64xf32>,
    return
  }
  func.func @transform_0(%arg0: i32) -> (i32, i32) {
    %c0_i32 = arith.constant 0 : i32
    %c0_i32_0 = arith.constant 0 : i32
    return %arg0, %c0_i32 : i32, i32
  }
  func.func @transform_1(%arg0: i32) -> (i32, i32) {
    %c0_i32 = arith.constant 0 : i32
    %c0_i32_0 = arith.constant 0 : i32
    return %arg0, %c0_i32 : i32, i32
  }
  func.func @transform_2(%arg0: i32) -> (i32, i32) {
    %c0_i32 = arith.constant 0 : i32
    %c0_i32_0 = arith.constant 0 : i32
    %c0_i32_1 = arith.constant 0 : i32
    return %c0_i32, %c0_i32_0 : i32, i32
  }
  func.func @transform_3(%arg0: i32) -> (i32, i32) {
    %c0_i32 = arith.constant 0 : i32
    %c0_i32_0 = arith.constant 0 : i32
    %c0_i32_1 = arith.constant 0 : i32
    return %c0_i32, %c0_i32_0 : i32, i32
  }
  func.func @transform_4(%arg0: i32) -> (i32, i32) {
    %c0_i32 = arith.constant 0 : i32
    %c0_i32_0 = arith.constant 0 : i32
    %c0_i32_1 = arith.constant 0 : i32
    return %c0_i32, %c0_i32_0 : i32, i32
  }
  func.func @transform_5(%arg0: i32) -> (i32, i32) {
    %c0_i32 = arith.constant 0 : i32
    %c0_i32_0 = arith.constant 0 : i32
    %c0_i32_1 = arith.constant 0 : i32
    return %c0_i32, %c0_i32_0 : i32, i32
  }
  func.func @transform_6(%arg0: i32) -> (i32, i32) {
    %c0_i32 = arith.constant 0 : i32
    %c0_i32_0 = arith.constant 0 : i32
    return %arg0, %c0_i32 : i32, i32
  }
}

module attributes {stable_mosaic.version = 14 : i64} {
  func.func @body(%arg0: i32, %arg1: memref<2000x64xf32, #tpu.memory_space<vmem>>, %arg2: memref<2000x64xf32, #tpu.memory_space<vmem>>, %arg3: memref<2000x64xf32, #tpu.memory_space<vmem>>, %arg4: memref<64x64xf32, #tpu.memory_space<vmem>>, %arg5: memref<64x64xf32, #tpu.memory_space<vmem>>, %arg6: memref<64x64xf32, #tpu.memory_space<vmem>>, %arg7: memref<64x64xf32, #tpu.memory_space<vmem>>, %arg8: memref<64x64xf32, #tpu.memory_space<vmem>>, %arg9: memref<64x64xf32, #tpu.memory_space<vmem>>, %arg10: memref<1x64xf32, #tpu.memory_space<vmem>>, %arg11: memref<1x64xf32, #tpu.memory_space<vmem>>, %arg12: memref<1x64xf32, #tpu.memory_space<vmem>>, %arg13: memref<1x64xf32, #tpu.memory_space<vmem>>, %arg14: memref<1x64xf32, #tpu.memory_space<vmem>>, %arg15: memref<1x64xf32, #tpu.memory_space<vmem>>, %arg16: memref<1x64xf32, #tpu.memory_space<vmem>>, %arg17: memref<1x64xf32, #tpu.memory_space<vmem>>, %arg18: memref<2000x64xf32, #tpu.memory_space<vmem>>) attributes {dimension_semantics = [#tpu.dimension_semantics<parallel>], iteration_bounds = array<i64: 5>, scalar_prefetch = 0 : i64, scratch_operands = 0 : i64, tpu.core_type = #tpu.core_type<tc>, window_params = [{transform_indices = @transform_0, window_bounds = array<i64: 2000, 64>}, {transform_indices = @transform_1, window_bounds = array<i64: 2000, 64>}, {transform_indices = @transform_2, window_bounds = array<i64: 2000, 64>}, {pipeline_mode = #tpu.pipeline_mode<synchronous>, transform_indices = @transform_3, window_bounds = array<i64: 64, 64>}, {pipeline_mode = #tpu.pipeline_mode<synchronous>, transform_indices = @transform_4, window_bounds = array<i64: 64, 64>}, {pipeline_mode = #tpu.pipeline_mode<synchronous>, transform_indices = @transform_5, window_bounds = array<i64: 64, 64>}, {pipeline_mode = #tpu.pipeline_mode<synchronous>, transform_indices = @transform_6, window_bounds = array<i64: 64, 64>}, {pipeline_mode = #tpu.pipeline_mode<synchronous>, transform_indices = @transform_7, window_bounds = array<i64: 64, 64>}, {pipeline_mode = #tpu.pipeline_mode<synchronous>, transform_indices = @transform_8, window_bounds = array<i64: 64, 64>}, {pipeline_mode = #tpu.pipeline_mode<synchronous>, transform_indices = @transform_9, window_bounds = array<i64: 1, 64>}, {pipeline_mode = #tpu.pipeline_mode<synchronous>, transform_indices = @transform_10, window_bounds = array<i64: 1, 64>}, {pipeline_mode = #tpu.pipeline_mode<synchronous>, transform_indices = @transform_11, window_bounds = array<i64: 1, 64>}, {pipeline_mode = #tpu.pipeline_mode<synchronous>, transform_indices = @transform_12, window_bounds = array<i64: 1, 64>}, {pipeline_mode = #tpu.pipeline_mode<synchronous>, transform_indices = @transform_13, window_bounds = array<i64: 1, 64>}, {pipeline_mode = #tpu.pipeline_mode<synchronous>, transform_indices = @transform_14, window_bounds = array<i64: 1, 64>}, {pipeline_mode = #tpu.pipeline_mode<synchronous>, transform_indices = @transform_15, window_bounds = array<i64: 1, 64>}, {pipeline_mode = #tpu.pipeline_mode<synchronous>, transform_indices = @transform_16, window_bounds = array<i64: 1, 64>}, {transform_indices = @transform_17, window_bounds = array<i64: 2000, 64>}]} {
    %get3A = arith.constant 0 : index
    %get3A_0 = arith.constant 0 : index
    %get3A_1 = vector.load %arg1[%get3A, %get3A_0] : memref<2000x64xf32, #tpu.memory_space<vmem>>, vector<2000x64xf32>
    %get3A_2 = arith.constant 0 : index
    %get3A_3 = arith.constant 0 : index
    %get3A_4 = vector.load %arg2[%get3A_2, %get3A_3] : memref<2000x64xf32, #tpu.memory_space<vmem>>, vector<2000x64xf32>
    %add3A = arith.addf %get3A_1, %get3A_4 : vector<2000x64xf32>
    %max3A = arith.constant 0.000000e+00 : f32
    %max3A_5 = vector.broadcast %max3A : f32 to vector<2000x64xf32>
    %max3A_6 = arith.maximumf %add3A, %max3A_5 : vector<2000x64xf32>
    %get3A_7 = arith.constant 0 : index
    %get3A_8 = arith.constant 0 : index
    %get3A_9 = vector.load %arg3[%get3A_7, %get3A_8] : memref<2000x64xf32, #tpu.memory_space<vmem>>, vector<2000x64xf32>
    %get3A_10 = arith.constant 0 : index
    %get3A_11 = arith.constant 0 : index
    %get3A_12 = vector.load %arg4[%get3A_10, %get3A_11] : memref<64x64xf32, #tpu.memory_space<vmem>>, vector<64x64xf32>
    %dot_general3A = arith.constant dense<0.000000e+00> : vector<2000x64xf32>
    %dot_general3A_13 = tpu.matmul %max3A_6, %get3A_12, %dot_general3A {dimension_numbers = #tpu.dot_dimension_numbers<[1], [0], [0], [1], [0, 0, 1, 1], [], []>, transpose_lhs_hint = false} : vector<2000x64xf32>, vector<64x64xf32>, vector<2000x64xf32> -> vector<2000x64xf32>
    %get3A_14 = arith.constant 0 : index
    %get3A_15 = arith.constant 0 : index
    %get3A_16 = vector.load %arg10[%get3A_14, %get3A_15] : memref<1x64xf32, #tpu.memory_space<vmem>>, vector<1x64xf32>
    %add3A_17 = vector.broadcast %get3A_16 : vector<1x64xf32> to vector<2000x64xf32>
    %add3A_18 = arith.addf %dot_general3A_13, %add3A_17 : vector<2000x64xf32>
    %get3A_19 = arith.constant 0 : index
    %get3A_20 = arith.constant 0 : index
    %get3A_21 = vector.load %arg7[%get3A_19, %get3A_20] : memref<64x64xf32, #tpu.memory_space<vmem>>, vector<64x64xf32>
    %dot_general3A_22 = arith.constant dense<0.000000e+00> : vector<2000x64xf32>
    %dot_general3A_23 = tpu.matmul %get3A_9, %get3A_21, %dot_general3A_22 {dimension_numbers = #tpu.dot_dimension_numbers<[1], [0], [0], [1], [0, 0, 1, 1], [], []>, transpose_lhs_hint = false} : vector<2000x64xf32>, vector<64x64xf32>, vector<2000x64xf32> -> vector<2000x64xf32>
    %add3A_24 = arith.addf %add3A_18, %dot_general3A_23 : vector<2000x64xf32>
    %get3A_25 = arith.constant 0 : index
    %get3A_26 = arith.constant 0 : index
    %get3A_27 = vector.load %arg13[%get3A_25, %get3A_26] : memref<1x64xf32, #tpu.memory_space<vmem>>, vector<1x64xf32>
    %add3A_28 = vector.broadcast %get3A_27 : vector<1x64xf32> to vector<2000x64xf32>
    %add3A_29 = arith.addf %add3A_24, %add3A_28 : vector<2000x64xf32>
    %logistic3A = arith.negf %add3A_29 : vector<2000x64xf32>
    %logistic3A_30 = math.exp %logistic3A : vector<2000x64xf32>
    %logistic3A_31 = arith.constant 1.000000e+00 : f32
    %logistic3A_32 = vector.broadcast %logistic3A_31 : f32 to vector<2000x64xf32>
    %logistic3A_33 = arith.addf %logistic3A_32, %logistic3A_30 : vector<2000x64xf32>
    %logistic3A_34 = arith.divf %logistic3A_32, %logistic3A_33 : vector<2000x64xf32>
    %get3A_35 = arith.constant 0 : index
    %get3A_36 = arith.constant 0 : index
    %get3A_37 = vector.load %arg5[%get3A_35, %get3A_36] : memref<64x64xf32, #tpu.memory_space<vmem>>, vector<64x64xf32>
    %dot_general3A_38 = arith.constant dense<0.000000e+00> : vector<2000x64xf32>
    %dot_general3A_39 = tpu.matmul %max3A_6, %get3A_37, %dot_general3A_38 {dimension_numbers = #tpu.dot_dimension_numbers<[1], [0], [0], [1], [0, 0, 1, 1], [], []>, transpose_lhs_hint = false} : vector<2000x64xf32>, vector<64x64xf32>, vector<2000x64xf32> -> vector<2000x64xf32>
    %get3A_40 = arith.constant 0 : index
    %get3A_41 = arith.constant 0 : index
    %get3A_42 = vector.load %arg11[%get3A_40, %get3A_41] : memref<1x64xf32, #tpu.memory_space<vmem>>, vector<1x64xf32>
    %add3A_43 = vector.broadcast %get3A_42 : vector<1x64xf32> to vector<2000x64xf32>
    %add3A_44 = arith.addf %dot_general3A_39, %add3A_43 : vector<2000x64xf32>
    %get3A_45 = arith.constant 0 : index
    %get3A_46 = arith.constant 0 : index
    %get3A_47 = vector.load %arg8[%get3A_45, %get3A_46] : memref<64x64xf32, #tpu.memory_space<vmem>>, vector<64x64xf32>
    %dot_general3A_48 = arith.constant dense<0.000000e+00> : vector<2000x64xf32>
    %dot_general3A_49 = tpu.matmul %get3A_9, %get3A_47, %dot_general3A_48 {dimension_numbers = #tpu.dot_dimension_numbers<[1], [0], [0], [1], [0, 0, 1, 1], [], []>, transpose_lhs_hint = false} : vector<2000x64xf32>, vector<64x64xf32>, vector<2000x64xf32> -> vector<2000x64xf32>
    %add3A_50 = arith.addf %add3A_44, %dot_general3A_49 : vector<2000x64xf32>
    %get3A_51 = arith.constant 0 : index
    %get3A_52 = arith.constant 0 : index
    %get3A_53 = vector.load %arg14[%get3A_51, %get3A_52] : memref<1x64xf32, #tpu.memory_space<vmem>>, vector<1x64xf32>
    %add3A_54 = vector.broadcast %get3A_53 : vector<1x64xf32> to vector<2000x64xf32>
    %add3A_55 = arith.addf %add3A_50, %add3A_54 : vector<2000x64xf32>
    %logistic3A_56 = arith.negf %add3A_55 : vector<2000x64xf32>
    %logistic3A_57 = math.exp %logistic3A_56 : vector<2000x64xf32>
    %logistic3A_58 = arith.constant 1.000000e+00 : f32
    %logistic3A_59 = vector.broadcast %logistic3A_58 : f32 to vector<2000x64xf32>
    %logistic3A_60 = arith.addf %logistic3A_59, %logistic3A_57 : vector<2000x64xf32>
    %logistic3A_61 = arith.divf %logistic3A_59, %logistic3A_60 : vector<2000x64xf32>
    %get3A_62 = arith.constant 0 : index
    %get3A_63 = arith.constant 0 : index
    %get3A_64 = vector.load %arg6[%get3A_62, %get3A_63] : memref<64x64xf32, #tpu.memory_space<vmem>>, vector<64x64xf32>
    %dot_general3A_65 = arith.constant dense<0.000000e+00> : vector<2000x64xf32>
    %dot_general3A_66 = tpu.matmul %max3A_6, %get3A_64, %dot_general3A_65 {dimension_numbers = #tpu.dot_dimension_numbers<[1], [0], [0], [1], [0, 0, 1, 1], [], []>, transpose_lhs_hint = false} : vector<2000x64xf32>, vector<64x64xf32>, vector<2000x64xf32> -> vector<2000x64xf32>
    %get3A_67 = arith.constant 0 : index
    %get3A_68 = arith.constant 0 : index
    %get3A_69 = vector.load %arg12[%get3A_67, %get3A_68] : memref<1x64xf32, #tpu.memory_space<vmem>>, vector<1x64xf32>
    %add3A_70 = vector.broadcast %get3A_69 : vector<1x64xf32> to vector<2000x64xf32>
    %add3A_71 = arith.addf %dot_general3A_66, %add3A_70 : vector<2000x64xf32>
    %get3A_72 = arith.constant 0 : index
    %get3A_73 = arith.constant 0 : index
    %get3A_74 = vector.load %arg9[%get3A_72, %get3A_73] : memref<64x64xf32, #tpu.memory_space<vmem>>, vector<64x64xf32>
    %dot_general3A_75 = arith.constant dense<0.000000e+00> : vector<2000x64xf32>
    %dot_general3A_76 = tpu.matmul %get3A_9, %get3A_74, %dot_general3A_75 {dimension_numbers = #tpu.dot_dimension_numbers<[1], [0], [0], [1], [0, 0, 1, 1], [], []>, transpose_lhs_hint = false} : vector<2000x64xf32>, vector<64x64xf32>, vector<2000x64xf32> -> vector<2000x64xf32>
    %get3A_77 = arith.constant 0 : index
    %get3A_78 = arith.constant 0 : index
    %get3A_79 = vector.load %arg15[%get3A_77, %get3A_78] : memref<1x64xf32, #tpu.memory_space<vmem>>, vector<1x64xf32>
    %add3A_80 = vector.broadcast %get3A_79 : vector<1x64xf32> to vector<2000x64xf32>
    %add3A_81 = arith.addf %dot_general3A_76, %add3A_80 : vector<2000x64xf32>
    %mul3A = arith.mulf %logistic3A_34, %add3A_81 : vector<2000x64xf32>
    %add3A_82 = arith.addf %add3A_71, %mul3A : vector<2000x64xf32>
    %tanh3A = math.tanh %add3A_82 : vector<2000x64xf32>
    %sub3A = arith.constant 1.000000e+00 : f32
    %sub3A_83 = vector.broadcast %sub3A : f32 to vector<2000x64xf32>
    %sub3A_84 = arith.subf %sub3A_83, %logistic3A_61 : vector<2000x64xf32>
    %mul3A_85 = arith.mulf %sub3A_84, %tanh3A : vector<2000x64xf32>
    %mul3A_86 = arith.mulf %logistic3A_61, %get3A_9 : vector<2000x64xf32>
    %add3A_87 = arith.addf %mul3A_85, %mul3A_86 : vector<2000x64xf32>
    %reduce_sum3A = arith.constant dense<0.000000e+00> : vector<2000xf32>
    %reduce_sum3A_88 = vector.multi_reduction <add>, %add3A_87, %reduce_sum3A [1] : vector<2000x64xf32> to vector<2000xf32>
    %broadcast_in_dim3A = vector.shape_cast %reduce_sum3A_88 : vector<2000xf32> to vector<2000x1xf32>
    %div3A = arith.constant 6.400000e+01 : f32
    %div3A_89 = vector.broadcast %div3A : f32 to vector<2000x1xf32>
    %div3A_90 = arith.divf %broadcast_in_dim3A, %div3A_89 : vector<2000x1xf32>
    %sub3A_91 = vector.broadcast %div3A_90 : vector<2000x1xf32> to vector<2000x64xf32>
    %sub3A_92 = arith.subf %add3A_87, %sub3A_91 : vector<2000x64xf32>
    %mul3A_93 = arith.mulf %sub3A_92, %sub3A_92 : vector<2000x64xf32>
    %reduce_sum3A_94 = arith.constant dense<0.000000e+00> : vector<2000xf32>
    %reduce_sum3A_95 = vector.multi_reduction <add>, %mul3A_93, %reduce_sum3A_94 [1] : vector<2000x64xf32> to vector<2000xf32>
    %broadcast_in_dim3A_96 = vector.shape_cast %reduce_sum3A_95 : vector<2000xf32> to vector<2000x1xf32>
    %div3A_97 = arith.constant 6.400000e+01 : f32
    %div3A_98 = vector.broadcast %div3A_97 : f32 to vector<2000x1xf32>
    %div3A_99 = arith.divf %broadcast_in_dim3A_96, %div3A_98 : vector<2000x1xf32>
    %add3A_100 = arith.constant 9.99999974E-6 : f32
    %add3A_101 = vector.broadcast %add3A_100 : f32 to vector<2000x1xf32>
    %add3A_102 = arith.addf %div3A_99, %add3A_101 : vector<2000x1xf32>
    %rsqrt3A = math.rsqrt %add3A_102 : vector<2000x1xf32>
    %mul3A_103 = vector.broadcast %rsqrt3A : vector<2000x1xf32> to vector<2000x64xf32>
    %mul3A_104 = arith.mulf %sub3A_92, %mul3A_103 : vector<2000x64xf32>
    %get3A_105 = arith.constant 0 : index
    %get3A_106 = arith.constant 0 : index
    %get3A_107 = vector.load %arg16[%get3A_105, %get3A_106] : memref<1x64xf32, #tpu.memory_space<vmem>>, vector<1x64xf32>
    %mul3A_108 = vector.broadcast %get3A_107 : vector<1x64xf32> to vector<2000x64xf32>
    %mul3A_109 = arith.mulf %mul3A_104, %mul3A_108 : vector<2000x64xf32>
    %get3A_110 = arith.constant 0 : index
    %get3A_111 = arith.constant 0 : index
    %get3A_112 = vector.load %arg17[%get3A_110, %get3A_111] : memref<1x64xf32, #tpu.memory_space<vmem>>, vector<1x64xf32>
    %add3A_113 = vector.broadcast %get3A_112 : vector<1x64xf32> to vector<2000x64xf32>
    %add3A_114 = arith.addf %mul3A_109, %add3A_113 : vector<2000x64xf32>
    %swap3A = arith.constant 0 : index
    %swap3A_115 = arith.constant 0 : index
    %swap3A_116 = vector.load %arg18[%swap3A, %swap3A_115] : memref<2000x64xf32, #tpu.memory_space<vmem>>, vector<2000x64xf32>
    tpu.vector_store %arg18[%swap3A, %swap3A_115], %add3A_114 {strides = array<i32>} : memref<2000x64xf32, #tpu.memory_space<vmem>>, vector<2000x64xf32>,
    return
  }
  func.func @transform_0(%arg0: i32) -> (i32, i32) {
    %c0_i32 = arith.constant 0 : i32
    %c0_i32_0 = arith.constant 0 : i32
    return %arg0, %c0_i32 : i32, i32
  }
  func.func @transform_1(%arg0: i32) -> (i32, i32) {
    %c0_i32 = arith.constant 0 : i32
    %c0_i32_0 = arith.constant 0 : i32
    return %arg0, %c0_i32 : i32, i32
  }
  func.func @transform_2(%arg0: i32) -> (i32, i32) {
    %c0_i32 = arith.constant 0 : i32
    %c0_i32_0 = arith.constant 0 : i32
    return %arg0, %c0_i32 : i32, i32
  }
  func.func @transform_3(%arg0: i32) -> (i32, i32) {
    %c0_i32 = arith.constant 0 : i32
    %c0_i32_0 = arith.constant 0 : i32
    %c0_i32_1 = arith.constant 0 : i32
    return %c0_i32, %c0_i32_0 : i32, i32
  }
  func.func @transform_4(%arg0: i32) -> (i32, i32) {
    %c0_i32 = arith.constant 0 : i32
    %c0_i32_0 = arith.constant 0 : i32
    %c0_i32_1 = arith.constant 0 : i32
    return %c0_i32, %c0_i32_0 : i32, i32
  }
  func.func @transform_5(%arg0: i32) -> (i32, i32) {
    %c0_i32 = arith.constant 0 : i32
    %c0_i32_0 = arith.constant 0 : i32
    %c0_i32_1 = arith.constant 0 : i32
    return %c0_i32, %c0_i32_0 : i32, i32
  }
  func.func @transform_6(%arg0: i32) -> (i32, i32) {
    %c0_i32 = arith.constant 0 : i32
    %c0_i32_0 = arith.constant 0 : i32
    %c0_i32_1 = arith.constant 0 : i32
    return %c0_i32, %c0_i32_0 : i32, i32
  }
  func.func @transform_7(%arg0: i32) -> (i32, i32) {
    %c0_i32 = arith.constant 0 : i32
    %c0_i32_0 = arith.constant 0 : i32
    %c0_i32_1 = arith.constant 0 : i32
    return %c0_i32, %c0_i32_0 : i32, i32
  }
  func.func @transform_8(%arg0: i32) -> (i32, i32) {
    %c0_i32 = arith.constant 0 : i32
    %c0_i32_0 = arith.constant 0 : i32
    %c0_i32_1 = arith.constant 0 : i32
    return %c0_i32, %c0_i32_0 : i32, i32
  }
  func.func @transform_9(%arg0: i32) -> (i32, i32) {
    %c0_i32 = arith.constant 0 : i32
    %c0_i32_0 = arith.constant 0 : i32
    %c0_i32_1 = arith.constant 0 : i32
    return %c0_i32, %c0_i32_0 : i32, i32
  }
  func.func @transform_10(%arg0: i32) -> (i32, i32) {
    %c0_i32 = arith.constant 0 : i32
    %c0_i32_0 = arith.constant 0 : i32
    %c0_i32_1 = arith.constant 0 : i32
    return %c0_i32, %c0_i32_0 : i32, i32
  }
  func.func @transform_11(%arg0: i32) -> (i32, i32) {
    %c0_i32 = arith.constant 0 : i32
    %c0_i32_0 = arith.constant 0 : i32
    %c0_i32_1 = arith.constant 0 : i32
    return %c0_i32, %c0_i32_0 : i32, i32
  }
  func.func @transform_12(%arg0: i32) -> (i32, i32) {
    %c0_i32 = arith.constant 0 : i32
    %c0_i32_0 = arith.constant 0 : i32
    %c0_i32_1 = arith.constant 0 : i32
    return %c0_i32, %c0_i32_0 : i32, i32
  }
  func.func @transform_13(%arg0: i32) -> (i32, i32) {
    %c0_i32 = arith.constant 0 : i32
    %c0_i32_0 = arith.constant 0 : i32
    %c0_i32_1 = arith.constant 0 : i32
    return %c0_i32, %c0_i32_0 : i32, i32
  }
  func.func @transform_14(%arg0: i32) -> (i32, i32) {
    %c0_i32 = arith.constant 0 : i32
    %c0_i32_0 = arith.constant 0 : i32
    %c0_i32_1 = arith.constant 0 : i32
    return %c0_i32, %c0_i32_0 : i32, i32
  }
  func.func @transform_15(%arg0: i32) -> (i32, i32) {
    %c0_i32 = arith.constant 0 : i32
    %c0_i32_0 = arith.constant 0 : i32
    %c0_i32_1 = arith.constant 0 : i32
    return %c0_i32, %c0_i32_0 : i32, i32
  }
  func.func @transform_16(%arg0: i32) -> (i32, i32) {
    %c0_i32 = arith.constant 0 : i32
    %c0_i32_0 = arith.constant 0 : i32
    %c0_i32_1 = arith.constant 0 : i32
    return %c0_i32, %c0_i32_0 : i32, i32
  }
  func.func @transform_17(%arg0: i32) -> (i32, i32) {
    %c0_i32 = arith.constant 0 : i32
    %c0_i32_0 = arith.constant 0 : i32
    return %arg0, %c0_i32 : i32, i32
  }
}

</mosaic_0001>

<sc_bundles>
// kernel: kernel.6.cloned.1.call-start
scs
__scs_entry_jumppad:
0x0: {  	(pc) =	sbr.rel $0x88, $3  }
0x1: {  	(tag) =	ssettag $0x0;
	lr =	simm.s32 $0x1  }
0x2: {  	[smem:$0x3F93] =	sst lr;
	_ =	strace $0xD0000000  }
0x3: {  	_ = 	snop  }
0x4: {  	_ = 	snop  }
0x5: {  	_ = 	snop  }
0x6: {  	_ = 	snop  }
0x7: {  	_ = 	snop  }
__scs_overlays_trampoline_lowered:
0x8: {  	[smem:$0x3FA2] =	sst s0  }
0x9: {  	[smem:$0x3FA3] =	sst s1  }
0xa: {  	[smem:$0x3FA4] =	sst s2  }
0xb: {  	[smem:$0x3FA5] =	sst s3  }
0xc: {  	[smem:$0x3FA6] =	sst s4  }
0xd: {  	[smem:$0x3FA7] =	sst s5  }
0xe: {  	[smem:$0x3FA8] =	sst s6  }
0xf: {  	[smem:$0x3FA9] =	sst s7  }
0x10: {  	[smem:$0x3FAA] =	sst s8  }
0x11: {  	[smem:$0x3FAB] =	sst s9;
	s0 =	simm.s32 @!p0 $0x0  }
0x12: {  	s1 =	sld [smem:$0x3F91];
	s0 =	simm.s32 @p0 $0x1  }
0x13: {  	[smem:$0x3FAC] =	sst s0;
	s0 =	simm.s32 @!p1 $0x0  }
0x14: {  	s2 =	sld [smem:$0x3F90];
	s0 =	simm.s32 @p1 $0x1  }
0x15: {  	[smem:$0x3FAD] =	sst s0;
	s0 =	simm.s32 @!p2 $0x0  }
0x16: {  	s3 =	sld [smem:$0x3FDB];
	s0 =	simm.s32 @p2 $0x1  }
0x17: {  	s4 =	simm.s32 $0x1BF5;
	[smem:$0x3FAF] =	sst s0  }
0x18: {  	s0 =	sld [smem:$0x3F92];
	_ =	swait.ge [sflag:s4], $0x0  }
0x19: {  	s7 =	sld [smem:$0x3F93]  }
0x1a: {  	s8 =	sadd.s32 $0xFFFFE003, lr  }
0x1b: {  	s9 =	sadd.s32 $0xFFFFFEF7, lr;
	s5 =	simm.s32 $0xFFFFFFFF;
	p2 =	slt.u32 s8, $0xFFFFF086  }
0x1c: {  	p1 =	slt.u32 s9, $0xF7A;
	s5 =	simm.s32 @!p2 $0x0  }
0x1d: {  	s5 =	simm.s32 @p1 $0x1;
	p0 =	seq.s32 s7, s2  }
0x1e: {  	s7 =	smul.u32 @!p0 $0xF7A, s2;
	p2 =	seq.s32 @!p0 s5, $0x0  }
0x1f: {  	s9 =	smul.u32 $0xF7A, s1;
	s8 =	simm.s32 @!p0 $0x1BF5;
	p2 =	por !p2, p0  }
0x20: {  	[sflag:s8] =	ssyncset.s32 @!p0 $0xFFFFF086;
	s6 =	sadd.s32 @!p0 s3, s7;
	s7 =	simm.s32 @!p0 $0x108  }
0x21: {  	s3 =	sadd.s32 s3, s9;
	s6 =	sadd.s32 @!p0 $0x88, s6;
	s7 =	simm.s32 @p2 $0x1082  }
0x22: {  	[simem:s7], [sflag:s8] =	dma.local @!p0 [hbm:s6], $0xF7A  }
0x23: {  	s9 =	sor.u32 $0xD0000000, s2;
	s6 =	simm.s32 $0x108;
	_ =	swait.ge @!p0 [sflag:s8], $0x0  }
0x24: {  	s3 =	sadd.s32 $0x88, s3;
	s6 =	simm.s32 @!p1 $0x1082;
	[sflag:s4] =	ssyncset.s32 $0xFFFFF086  }
0x25: {  	[simem:s6], [sflag:s4] =	dma.local [hbm:s3], $0xF7A  }
0x26: {  	[smem:$0x3F93] =	sst s1;
	(tag) =	ssettag s2;
	_ =	strace s9  }
0x27: {  	s1 =	sld [smem:$0x3FA3]  }
0x28: {  	s2 =	sld [smem:$0x3FA4]  }
0x29: {  	s4 =	sld [smem:$0x3FA6]  }
0x2a: {  	p0 =	seq.s32 s5, $0x0;
	s5 =	sld [smem:$0x3FA7]  }
0x2b: {  	s6 =	sld [smem:$0x3FA8]  }
0x2c: {  	s7 =	sld [smem:$0x3FA9]  }
0x2d: {  	s3 =	simm.s32 $0x108;
	s8 =	sld [smem:$0x3FAA]  }
0x2e: {  	s3 =	simm.s32 @!p0 $0x1082;
	s9 =	sld [smem:$0x3FAB]  }
0x2f: {  	lr =	sadd.s32 s0, s3;
	s0 =	sld [smem:$0x3FA2]  }
0x30: {  	s3 =	sld [smem:$0x3FA5]  }
0x31: {  	[smem:$0x3FAE] =	sst s10  }
0x32: {  	s10 =	sld [smem:$0x3FAC];
	_ =	sdelay $0x3  }
0x33: {  	p0 =	seq.s32 s10, $0x1;
	s10 =	sld [smem:$0x3FAE];
	_ =	sdelay $0x3  }
0x34: {  	[smem:$0x3FAE] =	sst s10  }
0x35: {  	s10 =	sld [smem:$0x3FAD];
	_ =	sdelay $0x3  }
0x36: {  	p1 =	seq.s32 s10, $0x1;
	s10 =	sld [smem:$0x3FAE];
	_ =	sdelay $0x3  }
0x37: {  	[smem:$0x3FAE] =	sst s10  }
0x38: {  	s10 =	sld [smem:$0x3FAF]  }
0x39: {  	_ = 	snop;
	(pc) =	sbr.ind lr, $3  }
0x3a: {  	_ = 	snop  }
0x3b: {  	_ = 	snop  }
0x3c: {  	p2 =	seq.s32 s10, $0x1;
	s10 =	sld [smem:$0x3FAE]  }
0x3d: {  	_ =	shalt  }
0x3e: {  	_ =	shalt  }
0x3f: {  	_ =	shalt  }
0x40: {  	_ =	shalt  }
0x41: {  	_ =	shalt  }
0x42: {  	_ =	shalt  }
0x43: {  	_ =	shalt  }
0x44: {  	_ =	shalt  }
0x45: {  	_ =	shalt  }
0x46: {  	_ =	shalt  }
0x47: {  	_ =	shalt  }
0x48: {  	_ =	shalt  }
0x49: {  	_ =	shalt  }
0x4a: {  	_ =	shalt  }
0x4b: {  	_ =	shalt  }
0x4c: {  	_ =	shalt  }
0x4d: {  	_ =	shalt  }
0x4e: {  	_ =	shalt  }
0x4f: {  	_ =	shalt  }
0x50: {  	_ =	shalt  }
0x51: {  	_ =	shalt  }
0x52: {  	_ =	shalt  }
0x53: {  	_ =	shalt  }
0x54: {  	_ =	shalt  }
0x55: {  	_ =	shalt  }
0x56: {  	_ =	shalt  }
0x57: {  	_ =	shalt  }
0x58: {  	_ =	shalt  }
0x59: {  	_ =	shalt  }
0x5a: {  	_ =	shalt  }
0x5b: {  	_ =	shalt  }
0x5c: {  	_ =	shalt  }
0x5d: {  	_ =	shalt  }
0x5e: {  	_ =	shalt  }
0x5f: {  	_ =	shalt  }
0x60: {  	_ =	shalt  }
0x61: {  	_ =	shalt  }
0x62: {  	_ =	shalt  }
0x63: {  	_ =	shalt  }
0x64: {  	_ =	shalt  }
0x65: {  	_ =	shalt  }
0x66: {  	_ =	shalt  }
0x67: {  	_ =	shalt  }
0x68: {  	_ =	shalt  }
0x69: {  	_ =	shalt  }
0x6a: {  	_ =	shalt  }
0x6b: {  	_ =	shalt  }
0x6c: {  	_ =	shalt  }
0x6d: {  	_ =	shalt  }
0x6e: {  	_ =	shalt  }
0x6f: {  	_ =	shalt  }
0x70: {  	_ =	shalt  }
0x71: {  	_ =	shalt  }
0x72: {  	_ =	shalt  }
0x73: {  	_ =	shalt  }
0x74: {  	_ =	shalt  }
0x75: {  	_ =	shalt  }
0x76: {  	_ =	shalt  }
0x77: {  	_ =	shalt  }
0x78: {  	_ =	shalt  }
0x79: {  	_ =	shalt  }
0x7a: {  	_ =	shalt  }
0x7b: {  	_ =	shalt  }
0x7c: {  	_ =	shalt  }
0x7d: {  	_ =	shalt  }
0x7e: {  	_ =	shalt  }
0x7f: {  	_ =	shalt  }
0x80: {  	_ =	shalt  }
0x81: {  	_ =	shalt  }
0x82: {  	_ =	shalt  }
0x83: {  	_ =	shalt  }
0x84: {  	_ =	shalt  }
0x85: {  	_ =	shalt  }
0x86: {  	_ =	shalt  }
0x87: {  	_ =	shalt  }
.Lfunc_end0:
.L_simem_size_0:
called_computation_lowered:
.L_overlay_start_0:
0x88: {  	s2 =	sld [smem:$0x3FD9]  }
0x89: {  	s3 =	sld [smem:$0x3FFE];
	_ =	sdelay $0x1  }
0x8a: {  	s1 =	srdreg.scid  }
0x8b: {  	s0 =	sand.u32 $0x1, s1  }
0x8c: {  	s17 =	sshll.u32 s0, $0xA;
	s2 =	sadd.s32 s3, s2  }
0x8d: {  	s2 =	sadd.s32 s2, s17  }
0x8e: {  	[smem:$0x3FBA] =	sst s2  }
0x8f: {  	_ = 	snop  }
0x90: {  	s2 =	sld [smem:$0x3FD0];
	(tm) =	ssettm $0x1  }
0x91: {  	s18 =	sld [smem:$0x3FFB];
	_ =	sdelay $0x3  }
0x92: {  	_ =	strace s18  }
0x93: {  	s3 =	sld [smem:$0x3FFC];
	_ =	sdelay $0x3  }
0x94: {  	_ =	strace s3  }
0x95: {  	s3 =	sld [smem:$0x3FFD];
	_ =	sdelay $0x3  }
0x96: {  	_ =	strace s3  }
0x97: {  	_ =	strace $0x8FFFFFFF  }
0x98: {  	s19 =	sld [smem:$0x3FDB];
	_ =	sdelay $0x1  }
0x99: {  	s4 =	simm.s32 $_scs_section_size  }
0x9a: {  	s5 =	simm.s32 $_size__tile_overlayer_lowered;
	s6 =	simm.s32 $_tile_overlayer_lowered  }
0x9b: {  	s22 =	simm.s32 $0x1BFF;
	s21 =	sshll.u32 s6, $0x1;
	s3 =	sadd.s32 s4, s19  }
0x9c: {  	s7 =	simm.s32 $0x0;
	s20 =	sshll.u32 s5, $0x1;
	s5 =	sadd.s32 s21, s3  }
0x9d: {  	[timem:s7], [sflag:s22] =	dma.local [hbm:s5], s20  }
0x9e: {  	_ =	swait.ge [sflag:s22], s20  }
0x9f: {  	s4 =	ssub.s32 $0x0, s20;
	[sflag:s22] =	ssyncset.done $0x0  }
0xa0: {  	[sflag:s22] =	ssyncadd.s32 s4;
	_ =	sdelay $0x1  }
0xa1: {  	s23 =	simm.s32 $0x1B8B  }
0xa2: {  	_ =	swait.ge [sflag:s23], $0x1  }
0xa3: {  	[sflag:s23] =	ssyncset.done $0x0  }
0xa4: {  	s25 =	simm.s32 $0x1B8E;
	s24 =	sld [smem:$0x3FFE];
	[sflag:s23] =	ssyncadd.s32 $0xFFFFFFFF  }
0xa5: {  	s26 =	simm.s32 $execute0_lowered;
	[smem:$0x3FD2] =	sst s25  }
0xa6: {  	s5 =	sshll.u32 s26, $0x1;
	_ =	strace $0x80000046;
	[dreg:$0x1] =	wrdreg $0xFFFFFFFF  }
0xa7: {  	s28 =	simm.s32 $_size_execute0_lowered;
	s3 =	sadd.s32 s3, s5;
	[dreg:$0x0] =	wrdreg $0x0  }
0xa8: {  	s5 =	sshll.u32 s28, $0x1;
	[dreg:$0x2] =	wrdreg s3  }
0xa9: {  	[dreg:$0x3] =	wrdreg s5  }
0xaa: {  	[dreg:$0x4] =	wrdreg $0xC0  }
0xab: {  	_ =	task [dreg:s7], $0x5FFFF  }
0xac: {  	[dreg:$0x1] =	wrdreg $0xFFFFFFFF  }
0xad: {  	[dreg:$0x0] =	wrdreg $0x60  }
0xae: {  	[dreg:$0x2] =	wrdreg s2  }
0xaf: {  	[dreg:$0x3] =	wrdreg s24  }
0xb0: {  	[dreg:$0x4] =	wrdreg $0x9  }
0xb1: {  	_ =	task.clear_ibuf [dreg:s7], $0x5FFFF;
	_ =	strace $0x90000046  }
0xb2: {  	s29 =	simm.s32 $0x9;
	_ =	strace $0x80000048  }
0xb3: {  	_ =	swait.ge [sflag:s29], $0x1  }
0xb4: {  	[sflag:s29] =	ssyncadd.s32 $0xFFFFFFFF  }
0xb5: {  	_ =	strace $0x90000048  }
0xb6: {  	_ =	sfence  }
0xb7: {  	s30 =	sld [smem:$0x0];
	_ =	sdelay $0x2  }
0xb8: {  	s31 =	sshll.u32 s1, $0xD;
	s1 =	sshrl.u32 s1, $0x2  }
0xb9: {  	s3 =	sand.u32 $0x4000, s31;
	s1 =	sadd.s32 s1, s30  }
0xba: {  	s0 =	sor.u32 s3, s0;
	s1 =	sshll.u32 s1, $0x11  }
0xbb: {  	s0 =	sor.u32 s1, s0  }
0xbc: {  	s0 =	sadd.s32 $0x8F2B, s0  }
0xbd: {  	[sflag:s0] =	ssyncadd.remote.s32 $0x1  }
0xbe: {  	_ =	sfence.sel $0xFFFF  }
0xbf: {  	[dreg:$0x0] =	wrdreg $0xFFFFFFFF;
	(pc) =	sbr.abs _section_cstart, $3  }
0xc0: {  	[dreg:$0x1] =	wrdreg $0xFFFFFFFF  }
0xc1: {  	_ =	task.clear_ibuf [dreg:s7], $0x2FFFF;
	_ =	strace $0x9FFFFFFF  }
0xc2: {  	(tm) =	ssettm $0x7FFFFFFF  }
0xc3: {  	_ =	shalt  }
tec
execute0_lowered:
.L_overlay_start_1:
0x0: {  	(tag) =	ssettag $0x1  }
0x1: {  	s1 =	srdreg.scid;
	s0 =	stileid.u32  }
0x2: {  	s2 =	rddreg [dreg:$0x0];
	s6 =	sand.u32 $0x1, s1;
	s30 =	sshll.u32 s0, $0x1  }
0x3: {  	s8 =	rddreg [dreg:$0x1];
	s7 =	sor.u32 s6, s30  }
0x4: {  	s3 =	simm.s32 $0x0;
	s1 =	rddreg [dreg:$0x2];
	s4 =	smul.u32 $0xC4, s7  }
0x5: {  	[smem:$0x7FF] =	sst s3  }
0x6: {  	_ =	strace $0x80000047;
	s10 =	ssub.s32 $0x2, s6;
	s4 =	sadd.s32 s4, s8  }
0x7: {  	s6 =	simm.s32 $0x620;
	s5 =	sadd.s32 $0x2E00, s4;
	s4 =	simm.s32 $0x2  }
0x8: {  	[tilespmem:s3], [sflag:$0x2] =	stream.linear.gather [hbm4b:s5+s3], $0x620, $0x38;
	[tilespmem:$0x18E20] =	vst v63  }
0x9: {  	s9 =	smul.u32 $0x3100, s7;
	s11 =	sshrl.u32 s10, $0x1;
	_ =	swait.ge [sflag:s4], $0x620  }
0xa: {  	s7 =	simm.s32 $0x1;
	s31 =	ssub.s32 s10, s11;
	[sflag:s4] =	ssyncset.done $0x0  }
0xb: {  	s8 =	sadd.s32 s9, s8;
	s9 =	smax.u32 s31, $0x1;
	[sflag:s4] =	ssyncadd.s32 $0xFFFFF9E0  }
0xc: {  	[tilespmem:s6], [sflag:$0x1] =	stream.indirect.gather [hbm4b:s2+s6], $0x40, s3, s6, $0xb8;
	[tilespmem:$0x18E20] =	vst v63  }
0xd: {  	p0 =	sne.s32 s9, $0x1;
	_ =	swait.ge [sflag:s7], $0x18800  }
.Ltmp0:
0xe: {  	[sflag:s7] =	ssyncset.done $0x0;
	(pc) =	sbr.rel @!p0 .LBB2_2-.Ltmp0, $4  }
0xf: {  	s8 =	sadd.s32 $0x4800, s8;
	[sflag:s7] =	ssyncadd.s32 $0xFFFE7800  }
0x10: {  	[hbm4b:s8+s3] =	stream.linear.scatter [tilespmem:s6], [sflag:$0x2], $0x18800, $0x38;
	[tilespmem:$0x18E20] =	vst v63  }
0x11: {  	_ =	swait.ge [sflag:s4], $0x18800  }
0x12: {  	s9 =	sadd.s32 $0xFFFFFFFF, s9;
	[sflag:s4] =	ssyncset.done $0x0  }
.LBB2_1:
0x13: {  	p0 =	sne.s32 s9, $0x1;
	s9 =	sadd.s32 $0xFFFFFFFF, s9;
	[sflag:s4] =	ssyncadd.s32 $0xFFFE7800  }
0x14: {  	[tilespmem:s3], [sflag:$0x2] =	stream.linear.gather [hbm4b:s5+s3], $0x620, $0x38;
	[tilespmem:$0x18E20] =	vst v63  }
0x15: {  	_ =	swait.ge [sflag:s4], $0x620  }
0x16: {  	[sflag:s4] =	ssyncset.done $0x0  }
0x17: {  	[sflag:s4] =	ssyncadd.s32 $0xFFFFF9E0  }
0x18: {  	[tilespmem:s6], [sflag:$0x1] =	stream.indirect.gather [hbm4b:s2+s6], $0x40, s3, s6, $0xb8;
	[tilespmem:$0x18E20] =	vst v63  }
0x19: {  	_ =	swait.ge [sflag:s7], $0x18800  }
.Ltmp1:
0x1a: {  	[sflag:s7] =	ssyncset.done $0x0;
	(pc) =	sbr.rel @p0 .LBB2_1-.Ltmp1, $4  }
0x1b: {  	[sflag:s7] =	ssyncadd.s32 $0xFFFE7800  }
0x1c: {  	[hbm4b:s8+s3] =	stream.linear.scatter [tilespmem:s6], [sflag:$0x2], $0x18800, $0x38;
	[tilespmem:$0x18E20] =	vst v63  }
0x1d: {  	_ =	swait.ge [sflag:s4], $0x18800  }
0x1e: {  	[sflag:s4] =	ssyncset.done $0x0  }
.LBB2_2:
0x1f: {  	[sflag:s4] =	ssyncadd.s32 $0xFFFE7800  }
0x20: {  	_ =	sfence.sel $0x180000  }
0x21: {  	[bflag:$0x0] =	sbarrier.arrive $0xFFFF  }
0x22: {  	p0 =	sne.s32 s0, $0x0;
	_ =	strace $0x90000047  }
0x23: {  	s0 =	sadd.s32 @!p0 $0x100000, s1;
	[bflag:$0x2] =	sbarrier.arrive $0xFFFF  }
0x24: {  	[sflag:s0] =	ssyncadd.tile.s32 @!p0 $0x1;
	_ =	shalt  }
.Lfunc_end2:
_tile_overlayer_lowered:
.L_overlay_start_2:
0x25: {  	(tag) =	ssettag $0x2  }
0x26: {  	s0 =	rddreg [dreg:$0x0];
	s2 =	stileid.u32  }
0x27: {  	s1 =	rddreg [dreg:$0x1];
	p0 =	sne.s32 s2, $0x0  }
0x28: {  	s3 =	rddreg [dreg:$0x2];
	[bflag:$0x3] =	sbarrier.arrive $0xFFFF;
	s2 =	simm.s32 @!p0 $0x1C02  }
0x29: {  	[timem:s3], [sflag:s2] =	dma.local @!p0 [hbm:s0], s1  }
0x2a: {  	s0 =	simm.s32 @!p0 $0x2  }
0x2b: {  	_ =	swait.ge @!p0 [sflag:s0], s1  }
0x2c: {  	s1 =	ssub.s32 @!p0 $0x0, s1;
	[sflag:s0] =	ssyncset.done @!p0 $0x0  }
0x2d: {  	[sflag:s0] =	ssyncadd.s32 @!p0 s1  }
0x2e: {  	[bflag:$0x3] =	sbarrier.arrive $0xFFFF  }
0x2f: {  	_ =	shalt  }

// kernel: kernel.9.cloned.1.call-start
scs
__scs_entry_jumppad:
0x0: {  	(pc) =	sbr.rel $0x88, $3  }
0x1: {  	(tag) =	ssettag $0x0;
	lr =	simm.s32 $0x1  }
0x2: {  	[smem:$0x3F93] =	sst lr;
	_ =	strace $0xD0000000  }
0x3: {  	_ = 	snop  }
0x4: {  	_ = 	snop  }
0x5: {  	_ = 	snop  }
0x6: {  	_ = 	snop  }
0x7: {  	_ = 	snop  }
__scs_overlays_trampoline_lowered:
0x8: {  	[smem:$0x3FA2] =	sst s0  }
0x9: {  	[smem:$0x3FA3] =	sst s1  }
0xa: {  	[smem:$0x3FA4] =	sst s2  }
0xb: {  	[smem:$0x3FA5] =	sst s3  }
0xc: {  	[smem:$0x3FA6] =	sst s4  }
0xd: {  	[smem:$0x3FA7] =	sst s5  }
0xe: {  	[smem:$0x3FA8] =	sst s6  }
0xf: {  	[smem:$0x3FA9] =	sst s7  }
0x10: {  	[smem:$0x3FAA] =	sst s8  }
0x11: {  	[smem:$0x3FAB] =	sst s9;
	s0 =	simm.s32 @!p0 $0x0  }
0x12: {  	s1 =	sld [smem:$0x3F91];
	s0 =	simm.s32 @p0 $0x1  }
0x13: {  	[smem:$0x3FAC] =	sst s0;
	s0 =	simm.s32 @!p1 $0x0  }
0x14: {  	s2 =	sld [smem:$0x3F90];
	s0 =	simm.s32 @p1 $0x1  }
0x15: {  	[smem:$0x3FAD] =	sst s0;
	s0 =	simm.s32 @!p2 $0x0  }
0x16: {  	s3 =	sld [smem:$0x3FDB];
	s0 =	simm.s32 @p2 $0x1  }
0x17: {  	s4 =	simm.s32 $0x1BF5;
	[smem:$0x3FAF] =	sst s0  }
0x18: {  	s0 =	sld [smem:$0x3F92];
	_ =	swait.ge [sflag:s4], $0x0  }
0x19: {  	s7 =	sld [smem:$0x3F93]  }
0x1a: {  	s8 =	sadd.s32 $0xFFFFE003, lr  }
0x1b: {  	s9 =	sadd.s32 $0xFFFFFEF7, lr;
	s5 =	simm.s32 $0xFFFFFFFF;
	p2 =	slt.u32 s8, $0xFFFFF086  }
0x1c: {  	p1 =	slt.u32 s9, $0xF7A;
	s5 =	simm.s32 @!p2 $0x0  }
0x1d: {  	s5 =	simm.s32 @p1 $0x1;
	p0 =	seq.s32 s7, s2  }
0x1e: {  	s7 =	smul.u32 @!p0 $0xF7A, s2;
	p2 =	seq.s32 @!p0 s5, $0x0  }
0x1f: {  	s9 =	smul.u32 $0xF7A, s1;
	s8 =	simm.s32 @!p0 $0x1BF5;
	p2 =	por !p2, p0  }
0x20: {  	[sflag:s8] =	ssyncset.s32 @!p0 $0xFFFFF086;
	s6 =	sadd.s32 @!p0 s3, s7;
	s7 =	simm.s32 @!p0 $0x108  }
0x21: {  	s3 =	sadd.s32 s3, s9;
	s6 =	sadd.s32 @!p0 $0x88, s6;
	s7 =	simm.s32 @p2 $0x1082  }
0x22: {  	[simem:s7], [sflag:s8] =	dma.local @!p0 [hbm:s6], $0xF7A  }
0x23: {  	s9 =	sor.u32 $0xD0000000, s2;
	s6 =	simm.s32 $0x108;
	_ =	swait.ge @!p0 [sflag:s8], $0x0  }
0x24: {  	s3 =	sadd.s32 $0x88, s3;
	s6 =	simm.s32 @!p1 $0x1082;
	[sflag:s4] =	ssyncset.s32 $0xFFFFF086  }
0x25: {  	[simem:s6], [sflag:s4] =	dma.local [hbm:s3], $0xF7A  }
0x26: {  	[smem:$0x3F93] =	sst s1;
	(tag) =	ssettag s2;
	_ =	strace s9  }
0x27: {  	s1 =	sld [smem:$0x3FA3]  }
0x28: {  	s2 =	sld [smem:$0x3FA4]  }
0x29: {  	s4 =	sld [smem:$0x3FA6]  }
0x2a: {  	p0 =	seq.s32 s5, $0x0;
	s5 =	sld [smem:$0x3FA7]  }
0x2b: {  	s6 =	sld [smem:$0x3FA8]  }
0x2c: {  	s7 =	sld [smem:$0x3FA9]  }
0x2d: {  	s3 =	simm.s32 $0x108;
	s8 =	sld [smem:$0x3FAA]  }
0x2e: {  	s3 =	simm.s32 @!p0 $0x1082;
	s9 =	sld [smem:$0x3FAB]  }
0x2f: {  	lr =	sadd.s32 s0, s3;
	s0 =	sld [smem:$0x3FA2]  }
0x30: {  	s3 =	sld [smem:$0x3FA5]  }
0x31: {  	[smem:$0x3FAE] =	sst s10  }
0x32: {  	s10 =	sld [smem:$0x3FAC];
	_ =	sdelay $0x3  }
0x33: {  	p0 =	seq.s32 s10, $0x1;
	s10 =	sld [smem:$0x3FAE];
	_ =	sdelay $0x3  }
0x34: {  	[smem:$0x3FAE] =	sst s10  }
0x35: {  	s10 =	sld [smem:$0x3FAD];
	_ =	sdelay $0x3  }
0x36: {  	p1 =	seq.s32 s10, $0x1;
	s10 =	sld [smem:$0x3FAE];
	_ =	sdelay $0x3  }
0x37: {  	[smem:$0x3FAE] =	sst s10  }
0x38: {  	s10 =	sld [smem:$0x3FAF]  }
0x39: {  	_ = 	snop;
	(pc) =	sbr.ind lr, $3  }
0x3a: {  	_ = 	snop  }
0x3b: {  	_ = 	snop  }
0x3c: {  	p2 =	seq.s32 s10, $0x1;
	s10 =	sld [smem:$0x3FAE]  }
0x3d: {  	_ =	shalt  }
0x3e: {  	_ =	shalt  }
0x3f: {  	_ =	shalt  }
0x40: {  	_ =	shalt  }
0x41: {  	_ =	shalt  }
0x42: {  	_ =	shalt  }
0x43: {  	_ =	shalt  }
0x44: {  	_ =	shalt  }
0x45: {  	_ =	shalt  }
0x46: {  	_ =	shalt  }
0x47: {  	_ =	shalt  }
0x48: {  	_ =	shalt  }
0x49: {  	_ =	shalt  }
0x4a: {  	_ =	shalt  }
0x4b: {  	_ =	shalt  }
0x4c: {  	_ =	shalt  }
0x4d: {  	_ =	shalt  }
0x4e: {  	_ =	shalt  }
0x4f: {  	_ =	shalt  }
0x50: {  	_ =	shalt  }
0x51: {  	_ =	shalt  }
0x52: {  	_ =	shalt  }
0x53: {  	_ =	shalt  }
0x54: {  	_ =	shalt  }
0x55: {  	_ =	shalt  }
0x56: {  	_ =	shalt  }
0x57: {  	_ =	shalt  }
0x58: {  	_ =	shalt  }
0x59: {  	_ =	shalt  }
0x5a: {  	_ =	shalt  }
0x5b: {  	_ =	shalt  }
0x5c: {  	_ =	shalt  }
0x5d: {  	_ =	shalt  }
0x5e: {  	_ =	shalt  }
0x5f: {  	_ =	shalt  }
0x60: {  	_ =	shalt  }
0x61: {  	_ =	shalt  }
0x62: {  	_ =	shalt  }
0x63: {  	_ =	shalt  }
0x64: {  	_ =	shalt  }
0x65: {  	_ =	shalt  }
0x66: {  	_ =	shalt  }
0x67: {  	_ =	shalt  }
0x68: {  	_ =	shalt  }
0x69: {  	_ =	shalt  }
0x6a: {  	_ =	shalt  }
0x6b: {  	_ =	shalt  }
0x6c: {  	_ =	shalt  }
0x6d: {  	_ =	shalt  }
0x6e: {  	_ =	shalt  }
0x6f: {  	_ =	shalt  }
0x70: {  	_ =	shalt  }
0x71: {  	_ =	shalt  }
0x72: {  	_ =	shalt  }
0x73: {  	_ =	shalt  }
0x74: {  	_ =	shalt  }
0x75: {  	_ =	shalt  }
0x76: {  	_ =	shalt  }
0x77: {  	_ =	shalt  }
0x78: {  	_ =	shalt  }
0x79: {  	_ =	shalt  }
0x7a: {  	_ =	shalt  }
0x7b: {  	_ =	shalt  }
0x7c: {  	_ =	shalt  }
0x7d: {  	_ =	shalt  }
0x7e: {  	_ =	shalt  }
0x7f: {  	_ =	shalt  }
0x80: {  	_ =	shalt  }
0x81: {  	_ =	shalt  }
0x82: {  	_ =	shalt  }
0x83: {  	_ =	shalt  }
0x84: {  	_ =	shalt  }
0x85: {  	_ =	shalt  }
0x86: {  	_ =	shalt  }
0x87: {  	_ =	shalt  }
.Lfunc_end0:
.L_simem_size_0:
called_computation.1_lowered:
.L_overlay_start_0:
0x88: {  	s2 =	sld [smem:$0x3FD9]  }
0x89: {  	s3 =	sld [smem:$0x3FFE];
	_ =	sdelay $0x1  }
0x8a: {  	s1 =	srdreg.scid  }
0x8b: {  	s0 =	sand.u32 $0x1, s1  }
0x8c: {  	s17 =	sshll.u32 s0, $0xA;
	s2 =	sadd.s32 s3, s2  }
0x8d: {  	s2 =	sadd.s32 s2, s17  }
0x8e: {  	[smem:$0x3FBA] =	sst s2  }
0x8f: {  	_ = 	snop  }
0x90: {  	s2 =	sld [smem:$0x3FD0];
	(tm) =	ssettm $0x1  }
0x91: {  	s18 =	sld [smem:$0x3FFB];
	_ =	sdelay $0x3  }
0x92: {  	_ =	strace s18  }
0x93: {  	s3 =	sld [smem:$0x3FFC];
	_ =	sdelay $0x3  }
0x94: {  	_ =	strace s3  }
0x95: {  	s3 =	sld [smem:$0x3FFD];
	_ =	sdelay $0x3  }
0x96: {  	_ =	strace s3  }
0x97: {  	_ =	strace $0x8FFFFFFF  }
0x98: {  	s19 =	sld [smem:$0x3FDB];
	_ =	sdelay $0x1  }
0x99: {  	s4 =	simm.s32 $_scs_section_size  }
0x9a: {  	s5 =	simm.s32 $_size__tile_overlayer_lowered;
	s6 =	simm.s32 $_tile_overlayer_lowered  }
0x9b: {  	s22 =	simm.s32 $0x1BFF;
	s21 =	sshll.u32 s6, $0x1;
	s3 =	sadd.s32 s4, s19  }
0x9c: {  	s7 =	simm.s32 $0x0;
	s20 =	sshll.u32 s5, $0x1;
	s5 =	sadd.s32 s21, s3  }
0x9d: {  	[timem:s7], [sflag:s22] =	dma.local [hbm:s5], s20  }
0x9e: {  	_ =	swait.ge [sflag:s22], s20  }
0x9f: {  	s4 =	ssub.s32 $0x0, s20;
	[sflag:s22] =	ssyncset.done $0x0  }
0xa0: {  	[sflag:s22] =	ssyncadd.s32 s4;
	_ =	sdelay $0x1  }
0xa1: {  	s23 =	simm.s32 $0x1B8B  }
0xa2: {  	_ =	swait.ge [sflag:s23], $0x1  }
0xa3: {  	[sflag:s23] =	ssyncset.done $0x0  }
0xa4: {  	s25 =	simm.s32 $0x1B8E;
	s24 =	sld [smem:$0x3FFE];
	[sflag:s23] =	ssyncadd.s32 $0xFFFFFFFF  }
0xa5: {  	s26 =	simm.s32 $execute0_lowered;
	[smem:$0x3FD2] =	sst s25  }
0xa6: {  	s5 =	sshll.u32 s26, $0x1;
	_ =	strace $0x80000049;
	[dreg:$0x1] =	wrdreg $0xFFFFFFFF  }
0xa7: {  	s28 =	simm.s32 $_size_execute0_lowered;
	s3 =	sadd.s32 s3, s5;
	[dreg:$0x0] =	wrdreg $0x0  }
0xa8: {  	s5 =	sshll.u32 s28, $0x1;
	[dreg:$0x2] =	wrdreg s3  }
0xa9: {  	[dreg:$0x3] =	wrdreg s5  }
0xaa: {  	[dreg:$0x4] =	wrdreg $0xC0  }
0xab: {  	_ =	task [dreg:s7], $0x5FFFF  }
0xac: {  	[dreg:$0x1] =	wrdreg $0xFFFFFFFF  }
0xad: {  	[dreg:$0x0] =	wrdreg $0x60  }
0xae: {  	[dreg:$0x2] =	wrdreg s24  }
0xaf: {  	[dreg:$0x3] =	wrdreg s2  }
0xb0: {  	[dreg:$0x4] =	wrdreg $0xC7100  }
0xb1: {  	[dreg:$0x5] =	wrdreg $0x9  }
0xb2: {  	_ =	task.clear_ibuf [dreg:s7], $0x6FFFF;
	_ =	strace $0x90000049  }
0xb3: {  	s29 =	simm.s32 $0x9;
	_ =	strace $0x8000004B  }
0xb4: {  	_ =	swait.ge [sflag:s29], $0x1  }
0xb5: {  	[sflag:s29] =	ssyncadd.s32 $0xFFFFFFFF  }
0xb6: {  	_ =	strace $0x9000004B  }
0xb7: {  	_ =	sfence  }
0xb8: {  	s30 =	sld [smem:$0x0];
	_ =	sdelay $0x2  }
0xb9: {  	s31 =	sshll.u32 s1, $0xD;
	s1 =	sshrl.u32 s1, $0x2  }
0xba: {  	s3 =	sand.u32 $0x4000, s31;
	s1 =	sadd.s32 s1, s30  }
0xbb: {  	s0 =	sor.u32 s3, s0;
	s1 =	sshll.u32 s1, $0x11  }
0xbc: {  	s0 =	sor.u32 s1, s0  }
0xbd: {  	s0 =	sadd.s32 $0x8F2B, s0  }
0xbe: {  	[sflag:s0] =	ssyncadd.remote.s32 $0x1  }
0xbf: {  	_ =	sfence.sel $0xFFFF  }
0xc0: {  	[dreg:$0x0] =	wrdreg $0xFFFFFFFF;
	(pc) =	sbr.abs _section_cstart, $3  }
0xc1: {  	[dreg:$0x1] =	wrdreg $0xFFFFFFFF  }
0xc2: {  	_ =	task.clear_ibuf [dreg:s7], $0x2FFFF;
	_ =	strace $0x9FFFFFFF  }
0xc3: {  	(tm) =	ssettm $0x7FFFFFFF  }
tec
execute0_lowered:
.L_overlay_start_1:
0x0: {  	(tag) =	ssettag $0x1  }
0x1: {  	s4 =	rddreg [dreg:$0x0]  }
0x2: {  	s3 =	rddreg [dreg:$0x1]  }
0x3: {  	s1 =	rddreg [dreg:$0x2]  }
0x4: {  	s0 =	rddreg [dreg:$0x3];
	s2 =	simm.s32 $0x0  }
0x5: {  	s5 =	srdreg.scid;
	s8 =	stileid.u32;
	p1 =	por $0x0, $0x0  }
0x6: {  	[smem:$0x7FF] =	sst s2;
	s5 =	sand.u32 $0x1, s5;
	s7 =	smul.u32 $0x1388, s8  }
0x7: {  	s9 =	sshll.u32 s8, $0x1;
	s10 =	sadd.s32 $0x12B800, s4;
	s13 =	sadd.s32 $0x129E00, s4  }
0x8: {  	s15 =	smul.u32 $0x27100, s8;
	p0 =	sne.s32 s8, $0x0;
	s11 =	ssub.s32 $0x2, s5  }
0x9: {  	s8 =	sshll.u32 s8, $0x6;
	s6 =	smul.u32 $0x13880, s5;
	s24 =	sshrl.u32 s11, $0x1  }
0xa: {  	_ =	strace $0x8000004A;
	s5 =	sor.u32 s5, s9;
	s14 =	ssub.s32 s11, s24  }
0xb: {  	s8 =	sor.u32 $0x1C01, s8;
	s9 =	smul.u32 $0x620, s5;
	s31 =	smax.u32 s14, $0x1  }
0xc: {  	s5 =	smul.u32 $0x3100, s5;
	s29 =	sshrl.u32 s15, $0x2;
	s16 =	sadd.s32 $0xFFFFFFFF, s31  }
0xd: {  	s6 =	sadd.s32 s7, s6;
	s30 =	sadd.s32 s29, s1;
	p2 =	sne.s32 s16, $0x0  }
.Ltmp0:
0xe: {  	s4 =	sadd.s32 s6, s4;
	s25 =	sshrl.u32 s9, $0x3;
	(pc) =	sbr.rel @!p2 .LBB2_3-.Ltmp0, $4  }
0xf: {  	s9 =	sadd.s32 $0x310, s9;
	s11 =	sadd.s32 s10, s5;
	s5 =	simm.s32 $0x1  }
0x10: {  	s12 =	sadd.s32 s13, s25;
	s26 =	sshrl.u32 s9, $0x3;
	s28 =	sshll.u32 s9, $0x3  }
0x11: {  	s4 =	sadd.s32 $0x2E00, s4;
	s9 =	sshrl.u32 s30, $0x3;
	s7 =	sadd.s32 s13, s26  }
0x12: {  	s6 =	sadd.s32 s10, s28;
	s13 =	sshrl.u32 @!p0 s1, $0x3;
	s10 =	simm.s32 $0x310  }
0x13: {  	s14 =	simm.s32 @!p0 $0x1C01;
	s15 =	simm.s32 @!p0 $0x1  }
0x14: {  	[spmem:s13], [sflag:s14] =	dma.local @!p0 [hbm:s3], $0x138C0  }
0x15: {  	_ =	swait.ge @!p0 [sflag:s15], $0x138C0  }
0x16: {  	[sflag:s15] =	ssyncset.done @!p0 $0x0  }
0x17: {  	[sflag:s15] =	ssyncadd.s32 @!p0 $0xFFFEC740  }
0x18: {  	[bflag:$0x0] =	sbarrier.arrive $0xFFFF  }
0x19: {  	[tilespmem:s2], [sflag:$0x1] =	stream.linear.gather [hbm4b:s12+s2], $0x310, $0x38;
	[tilespmem:$0x16370] =	vst v63  }
0x1a: {  	_ =	swait.ge [sflag:s5], $0x310  }
0x1b: {  	[sflag:s5] =	ssyncset.done $0x0  }
0x1c: {  	[sflag:s5] =	ssyncadd.s32 $0xFFFFFCF0  }
0x1d: {  	[tilespmem:s10], [sflag:$0x1] =	stream.linear.gather [hbm4b:s11+s2], $0xC400, $0x38;
	[tilespmem:$0x16370] =	vst v63  }
0x1e: {  	_ =	swait.ge [sflag:s5], $0xC400  }
0x1f: {  	[sflag:s5] =	ssyncset.done $0x0  }
0x20: {  	[sflag:s5] =	ssyncadd.s32 $0xFFFF3C00  }
0x21: {  	[spmem:s1] =	stream.indirect.scatter.add.f32 [tilespmem:s10], [sflag:$0x1], $0x40, s2, s10, $0xb8;
	[tilespmem:$0x16370] =	vst v63  }
0x22: {  	_ =	swait.ge [sflag:s5], $0xC400  }
0x23: {  	[sflag:s5] =	ssyncset.done $0x0  }
0x24: {  	[sflag:s5] =	ssyncadd.s32 $0xFFFF3C00  }
0x25: {  	[tilespmem:s2], [sflag:$0x1] =	stream.linear.gather [hbm4b:s7+s2], $0x310, $0x38;
	[tilespmem:$0x16370] =	vst v63  }
0x26: {  	_ =	swait.ge [sflag:s5], $0x310  }
0x27: {  	[sflag:s5] =	ssyncset.done $0x0  }
0x28: {  	[sflag:s5] =	ssyncadd.s32 $0xFFFFFCF0  }
0x29: {  	[tilespmem:s10], [sflag:$0x1] =	stream.linear.gather [hbm4b:s6+s2], $0xC400, $0x38;
	[tilespmem:$0x16370] =	vst v63  }
0x2a: {  	_ =	swait.ge [sflag:s5], $0xC400  }
0x2b: {  	[sflag:s5] =	ssyncset.done $0x0  }
0x2c: {  	[sflag:s5] =	ssyncadd.s32 $0xFFFF3C00  }
0x2d: {  	[spmem:s1] =	stream.indirect.scatter.add.f32 [tilespmem:s10], [sflag:$0x1], $0x40, s2, s10, $0xb8;
	[tilespmem:$0x16370] =	vst v63  }
0x2e: {  	s16 =	sadd.s32 $0xFFFFFFFF, s16;
	_ =	swait.ge [sflag:s5], $0xC400  }
0x2f: {  	p2 =	sne.s32 s16, $0x0;
	[sflag:s5] =	ssyncset.done $0x0  }
.Ltmp1:
0x30: {  	[sflag:s5] =	ssyncadd.s32 $0xFFFF3C00;
	(pc) =	sbr.rel @!p2 .LBB2_3-.Ltmp1, $4  }
0x31: {  	[bflag:$0x0] =	sbarrier.arrive $0xFFFF  }
0x32: {  	[hbm:s4], [sflag:s8] =	dma.local [spmem:s9], $0x1388  }
0x33: {  	_ =	swait.ge [sflag:s5], $0x1388  }
0x34: {  	p1 =	por $0x1, $0x1;
	[sflag:s5] =	ssyncset.done $0x0  }
.LBB2_2:
0x35: {  	[sflag:s5] =	ssyncadd.s32 $0xFFFFEC78  }
0x36: {  	[spmem:s13], [sflag:s14] =	dma.local @!p0 [hbm:s3], $0x138C0  }
0x37: {  	s16 =	sadd.s32 $0xFFFFFFFF, s16;
	_ =	swait.ge @!p0 [sflag:s15], $0x138C0  }
0x38: {  	p2 =	sne.s32 s16, $0x0;
	[sflag:s15] =	ssyncset.done @!p0 $0x0  }
0x39: {  	[sflag:s15] =	ssyncadd.s32 @!p0 $0xFFFEC740  }
0x3a: {  	[bflag:$0x0] =	sbarrier.arrive $0xFFFF  }
0x3b: {  	[tilespmem:s2], [sflag:$0x1] =	stream.linear.gather [hbm4b:s12+s2], $0x310, $0x38;
	[tilespmem:$0x16370] =	vst v63  }
0x3c: {  	_ =	swait.ge [sflag:s5], $0x310  }
0x3d: {  	[sflag:s5] =	ssyncset.done $0x0  }
0x3e: {  	[sflag:s5] =	ssyncadd.s32 $0xFFFFFCF0  }
0x3f: {  	[tilespmem:s10], [sflag:$0x1] =	stream.linear.gather [hbm4b:s11+s2], $0xC400, $0x38;
	[tilespmem:$0x16370] =	vst v63  }
0x40: {  	_ =	swait.ge [sflag:s5], $0xC400  }
0x41: {  	[sflag:s5] =	ssyncset.done $0x0  }
0x42: {  	[sflag:s5] =	ssyncadd.s32 $0xFFFF3C00  }
0x43: {  	[spmem:s1] =	stream.indirect.scatter.add.f32 [tilespmem:s10], [sflag:$0x1], $0x40, s2, s10, $0xb8;
	[tilespmem:$0x16370] =	vst v63  }
0x44: {  	_ =	swait.ge [sflag:s5], $0xC400  }
0x45: {  	[sflag:s5] =	ssyncset.done $0x0  }
0x46: {  	[sflag:s5] =	ssyncadd.s32 $0xFFFF3C00  }
0x47: {  	[tilespmem:s2], [sflag:$0x1] =	stream.linear.gather [hbm4b:s7+s2], $0x310, $0x38;
	[tilespmem:$0x16370] =	vst v63  }
0x48: {  	_ =	swait.ge [sflag:s5], $0x310  }
0x49: {  	[sflag:s5] =	ssyncset.done $0x0  }
0x4a: {  	[sflag:s5] =	ssyncadd.s32 $0xFFFFFCF0  }
0x4b: {  	[tilespmem:s10], [sflag:$0x1] =	stream.linear.gather [hbm4b:s6+s2], $0xC400, $0x38;
	[tilespmem:$0x16370] =	vst v63  }
0x4c: {  	_ =	swait.ge [sflag:s5], $0xC400  }
0x4d: {  	[sflag:s5] =	ssyncset.done $0x0  }
0x4e: {  	[sflag:s5] =	ssyncadd.s32 $0xFFFF3C00  }
0x4f: {  	[spmem:s1] =	stream.indirect.scatter.add.f32 [tilespmem:s10], [sflag:$0x1], $0x40, s2, s10, $0xb8;
	[tilespmem:$0x16370] =	vst v63  }
0x50: {  	_ =	swait.ge [sflag:s5], $0xC400  }
0x51: {  	[sflag:s5] =	ssyncset.done $0x0  }
.Ltmp2:
0x52: {  	[sflag:s5] =	ssyncadd.s32 $0xFFFF3C00;
	(pc) =	sbr.rel @p2 .LBB2_2-.Ltmp2, $4  }
0x53: {  	[bflag:$0x0] =	sbarrier.arrive $0xFFFF  }
0x54: {  	[hbm:s4], [sflag:s8] =	dma.local [spmem:s9], $0x1388  }
0x55: {  	_ =	swait.ge [sflag:s5], $0x1388  }
0x56: {  	[sflag:s5] =	ssyncset.done $0x0  }
.LBB2_3:
0x57: {  	s14 =	simm.s32 @!p0 $0x1C01;
	s15 =	simm.s32 @!p0 $0x1;
	[sflag:s5] =	ssyncadd.s32 @p1 $0xFFFFEC78  }
0x58: {  	[spmem:s13], [sflag:s14] =	dma.local @!p0 [hbm:s3], $0x138C0  }
0x59: {  	_ =	swait.ge @!p0 [sflag:s15], $0x138C0  }
0x5a: {  	[sflag:s15] =	ssyncset.done @!p0 $0x0  }
0x5b: {  	[sflag:s15] =	ssyncadd.s32 @!p0 $0xFFFEC740  }
0x5c: {  	[bflag:$0x0] =	sbarrier.arrive $0xFFFF  }
0x5d: {  	[tilespmem:s2], [sflag:$0x1] =	stream.linear.gather [hbm4b:s12+s2], $0x310, $0x38;
	[tilespmem:$0x16370] =	vst v63  }
0x5e: {  	_ =	swait.ge [sflag:s5], $0x310  }
0x5f: {  	[sflag:s5] =	ssyncset.done $0x0  }
0x60: {  	[sflag:s5] =	ssyncadd.s32 $0xFFFFFCF0  }
0x61: {  	[tilespmem:s10], [sflag:$0x1] =	stream.linear.gather [hbm4b:s11+s2], $0xC400, $0x38;
	[tilespmem:$0x16370] =	vst v63  }
0x62: {  	_ =	swait.ge [sflag:s5], $0xC400  }
0x63: {  	[sflag:s5] =	ssyncset.done $0x0  }
0x64: {  	[sflag:s5] =	ssyncadd.s32 $0xFFFF3C00  }
0x65: {  	[spmem:s1] =	stream.indirect.scatter.add.f32 [tilespmem:s10], [sflag:$0x1], $0x40, s2, s10, $0xb8;
	[tilespmem:$0x16370] =	vst v63  }
0x66: {  	_ =	swait.ge [sflag:s5], $0xC400  }
0x67: {  	[sflag:s5] =	ssyncset.done $0x0  }
0x68: {  	[sflag:s5] =	ssyncadd.s32 $0xFFFF3C00  }
0x69: {  	[tilespmem:s2], [sflag:$0x1] =	stream.linear.gather [hbm4b:s7+s2], $0x310, $0x38;
	[tilespmem:$0x16370] =	vst v63  }
0x6a: {  	_ =	swait.ge [sflag:s5], $0x310  }
0x6b: {  	[sflag:s5] =	ssyncset.done $0x0  }
0x6c: {  	[sflag:s5] =	ssyncadd.s32 $0xFFFFFCF0  }
0x6d: {  	[tilespmem:s10], [sflag:$0x1] =	stream.linear.gather [hbm4b:s6+s2], $0xC400, $0x38;
	[tilespmem:$0x16370] =	vst v63  }
0x6e: {  	_ =	swait.ge [sflag:s5], $0xC400  }
0x6f: {  	[sflag:s5] =	ssyncset.done $0x0  }
0x70: {  	[sflag:s5] =	ssyncadd.s32 $0xFFFF3C00  }
0x71: {  	[spmem:s1] =	stream.indirect.scatter.add.f32 [tilespmem:s10], [sflag:$0x1], $0x40, s2, s10, $0xb8;
	[tilespmem:$0x16370] =	vst v63  }
0x72: {  	_ =	swait.ge [sflag:s5], $0xC400  }
0x73: {  	[sflag:s5] =	ssyncset.done $0x0  }
0x74: {  	[sflag:s5] =	ssyncadd.s32 $0xFFFF3C00  }
0x75: {  	[bflag:$0x0] =	sbarrier.arrive $0xFFFF  }
0x76: {  	[hbm:s4], [sflag:s8] =	dma.local [spmem:s9], $0x1388  }
0x77: {  	_ =	swait.ge [sflag:s5], $0x1388  }
0x78: {  	[sflag:s5] =	ssyncset.done $0x0  }
0x79: {  	[sflag:s5] =	ssyncadd.s32 $0xFFFFEC78  }
0x7a: {  	_ =	sfence.sel $0x180000  }
0x7b: {  	[bflag:$0x0] =	sbarrier.arrive $0xFFFF  }
0x7c: {  	_ =	strace $0x9000004A  }
0x7d: {  	s0 =	sadd.s32 @!p0 $0x100000, s0;
	[bflag:$0x2] =	sbarrier.arrive $0xFFFF  }
0x7e: {  	[sflag:s0] =	ssyncadd.tile.s32 @!p0 $0x1;
	_ =	shalt  }
.Lfunc_end2:
_tile_overlayer_lowered:
.L_overlay_start_2:
0x7f: {  	(tag) =	ssettag $0x2  }
0x80: {  	s0 =	rddreg [dreg:$0x0];
	s2 =	stileid.u32  }
0x81: {  	s1 =	rddreg [dreg:$0x1];
	p0 =	sne.s32 s2, $0x0  }
0x82: {  	s3 =	rddreg [dreg:$0x2];
	[bflag:$0x3] =	sbarrier.arrive $0xFFFF;
	s2 =	simm.s32 @!p0 $0x1C01  }
0x83: {  	[timem:s3], [sflag:s2] =	dma.local @!p0 [hbm:s0], s1  }
0x84: {  	s0 =	simm.s32 @!p0 $0x1  }
0x85: {  	_ =	swait.ge @!p0 [sflag:s0], s1  }
0x86: {  	s1 =	ssub.s32 @!p0 $0x0, s1;
	[sflag:s0] =	ssyncset.done @!p0 $0x0  }
0x87: {  	[sflag:s0] =	ssyncadd.s32 @!p0 s1  }
0x88: {  	[bflag:$0x3] =	sbarrier.arrive $0xFFFF  }
0x89: {  	_ =	shalt  }

</sc_bundles>
